<compile_context>
chip_gen: v7x
topology: tpu7x:2x2x1
jax: 0.10.2.dev20260603
libtpu: 0.0.44.dev20260713+nightly
codegen_flags: <defaults>
</compile_context>

<pallas_src>
import functools
import math

import jax
import jax.numpy as jnp
from jax import lax
from jax.experimental import pallas as pl
from jax.experimental.pallas import tpu as pltpu
from jax.experimental.pallas import tpu_sc as plsc

D_MODEL = 1024
SCALE = math.sqrt(D_MODEL)
LANES = 16
NW = 32
CH = 16
NBUF = 7
LOOKAHEAD = 5


def kernel(x, table):
    B0, S = x.shape
    V, D = table.shape
    x = x.astype(jnp.int32)
    b_per_w = (B0 * S) // NW
    w_per_row = S // b_per_w
    n_ch = b_per_w // CH

    mesh = plsc.VectorSubcoreMesh(core_axis_name="c", subcore_axis_name="s")

    @functools.partial(
        pl.kernel,
        out_type=jax.ShapeDtypeStruct((B0, S, D), jnp.float32),
        mesh=mesh,
        scratch_types=[
            pltpu.VMEM((b_per_w,), jnp.int32),
            pltpu.VMEM((NBUF * CH, D), jnp.float32),
            pltpu.SemaphoreType.DMA((NBUF,)),
            pltpu.SemaphoreType.DMA((NBUF,)),
        ],
    )
    def emb(table_hbm, idx_hbm, out_hbm, idx_v, bufs, gsems, osems):
        wid = lax.axis_index("s") * 2 + lax.axis_index("c")
        row = wid // w_per_row
        col = (wid % w_per_row) * b_per_w
        pltpu.sync_copy(idx_hbm.at[row, pl.ds(col, b_per_w)], idx_v)

        def gather_start(c, j):
            pltpu.async_copy(
                table_hbm.at[idx_v.at[pl.ds(c * CH, CH)]],
                bufs.at[pl.ds(j * CH, CH)],
                gsems.at[j],
            )

        def gather_wait(j):
            pltpu.make_async_copy(
                table_hbm.at[pl.ds(0, CH)],
                bufs.at[pl.ds(j * CH, CH)],
                gsems.at[j],
            ).wait()

        def wb_start(c, j):
            pltpu.async_copy(
                bufs.at[pl.ds(j * CH, CH)],
                out_hbm.at[row, pl.ds(col + c * CH, CH)],
                osems.at[j],
            )

        def wb_wait(j):
            pltpu.make_async_copy(
                bufs.at[pl.ds(j * CH, CH)],
                out_hbm.at[0, pl.ds(0, CH)],
                osems.at[j],
            ).wait()

        for c0 in range(LOOKAHEAD):
            gather_start(c0, c0)

        def body(c, _):
            j = lax.rem(c, NBUF)
            cg = c + LOOKAHEAD

            @pl.when(cg < n_ch)
            def _():
                jg = lax.rem(cg, NBUF)

                @pl.when(cg >= NBUF)
                def _():
                    wb_wait(jg)

                gather_start(cg, jg)

            gather_wait(j)

            rbase = j * CH

            @plsc.parallel_loop(0, CH)
            def _(r):
                for k in range(D // LANES):
                    sl = pl.ds(k * LANES, LANES)
                    bufs[rbase + r, sl] = bufs[rbase + r, sl] * SCALE

            wb_start(c, j)
            return 0

        lax.fori_loop(0, n_ch, body, 0)

        for jj in range(NBUF):
            wb_wait(jj)

    return emb(table, x)

# --- scband reference (transcript-rebuilt; emitter-appended) ---
"""Pipeline reference for scband-input-embedding-40561671143467 (READ-ONLY COPY).

The authoritative reference and input builder live on the scoring server;
editing this copy changes nothing except your own understanding.
"""

import jax, jax.numpy as jnp
import numpy as np
import math

D_MODEL = 1024
VOCAB = 100000

def setup_inputs(seed: int = 0) -> dict:
    key = jax.random.key(seed)
    k1, k2 = jax.random.split(key)
    x = jax.random.randint(k1, (4, 4096), 0, VOCAB, dtype=jnp.int64 if jax.config.read('jax_enable_x64') else jnp.int32)
    table = jax.random.normal(k2, (VOCAB, D_MODEL), dtype=jnp.float32)
    return {"x": x, "table": table}

def reference(x, table):
    # nn.Embedding lookup followed by sqrt(d_model) scaling (Sec 3.4)
    emb = jnp.take(table, x, axis=0)
    return emb * math.sqrt(D_MODEL)

if __name__ == "__main__":
    import jax
    _d = setup_inputs()
    print(jax.jit(kernel)(*tuple(_d.values())))

</pallas_src>

<mosaic_0001>
#map = affine_map<(d0, d1) -> (0, 0)>
#map1 = affine_map<(d0, d1) -> (0, 0, 0)>
module attributes {stable_mosaic.version = 14 : i64} {
  func.func @emb(%arg0: i32, %arg1: i32, %arg2: memref<100000x1024xf32, #tpu.memory_space<hbm>>, %arg3: memref<4x4096xi32, #tpu.memory_space<hbm>>, %arg4: memref<4x4096x1024xf32, #tpu.memory_space<hbm>>, %arg5: memref<512xi32, #tpu.memory_space<vmem>>, %arg6: memref<112x1024xf32, #tpu.memory_space<vmem>>, %arg7: memref<7x!tpu.dma_semaphore, #tpu.memory_space<semaphore_mem>>, %arg8: memref<7x!tpu.dma_semaphore, #tpu.memory_space<semaphore_mem>>) attributes {dimension_semantics = [#tpu.dimension_semantics<core_parallel>, #tpu.dimension_semantics<subcore_parallel>], iteration_bounds = array<i64: 2, 16>, scalar_prefetch = 0 : i64, scratch_operands = 4 : i64, tpu.core_type = #tpu.core_type<sc_vector_subcore>, window_params = [{transform_indices = #map}, {transform_indices = #map}, {transform_indices = #map1}]} {
    %mul3A = arith.constant 2 : i32
    %mul3A_0 = arith.muli %arg1, %mul3A : i32
    %add3A = arith.addi %mul3A_0, %arg0 : i32
    %jit3A = arith.constant 8 : i32
    %div3A = arith.divsi %add3A, %jit3A : i32
    %sign3A = arith.constant 0 : i32
    %sign3A_1 = arith.cmpi sgt, %add3A, %sign3A : i32
    %sign3A_2 = arith.extui %sign3A_1 : i1 to i32
    %sign3A_3 = arith.constant 0 : i32
    %sign3A_4 = arith.cmpi slt, %add3A, %sign3A_3 : i32
    %sign3A_5 = arith.extui %sign3A_4 : i1 to i32
    %sign3A_6 = arith.subi %sign3A_2, %sign3A_5 : i32
    %sign3A_7 = arith.constant 0 : i32
    %sign3A_8 = arith.cmpi sgt, %jit3A, %sign3A_7 : i32
    %sign3A_9 = arith.extui %sign3A_8 : i1 to i32
    %sign3A_10 = arith.constant 0 : i32
    %sign3A_11 = arith.cmpi slt, %jit3A, %sign3A_10 : i32
    %sign3A_12 = arith.extui %sign3A_11 : i1 to i32
    %sign3A_13 = arith.subi %sign3A_9, %sign3A_12 : i32
    %ne3A = arith.cmpi ne, %sign3A_6, %sign3A_13 : i32
    %rem3A = arith.remsi %add3A, %jit3A : i32
    %ne3A_14 = arith.constant 0 : i32
    %ne3A_15 = arith.cmpi ne, %rem3A, %ne3A_14 : i32
    %and3A = arith.andi %ne3A, %ne3A_15 : i1
    %sub3A = arith.constant 1 : i32
    %sub3A_16 = arith.subi %div3A, %sub3A : i32
    %select_n3A = arith.select %and3A, %sub3A_16, %div3A : i32
    %jit3A_17 = arith.constant 8 : i32
    %eq3A = arith.constant 0 : i32
    %eq3A_18 = arith.cmpi eq, %jit3A_17, %eq3A : i32
    %jit3A_19 = arith.constant 1 : i32
    %select_n3A_20 = arith.select %eq3A_18, %jit3A_19, %jit3A_17 : i32
    %rem3A_21 = arith.remsi %add3A, %select_n3A_20 : i32
    %ne3A_22 = arith.constant 0 : i32
    %ne3A_23 = arith.cmpi ne, %rem3A_21, %ne3A_22 : i32
    %lt3A = arith.constant 0 : i32
    %lt3A_24 = arith.cmpi slt, %rem3A_21, %lt3A : i32
    %lt3A_25 = arith.constant 0 : i32
    %lt3A_26 = arith.cmpi slt, %select_n3A_20, %lt3A_25 : i32
    %ne3A_27 = arith.xori %lt3A_24, %lt3A_26 : i1
    %and3A_28 = arith.andi %ne3A_27, %ne3A_23 : i1
    %add3A_29 = arith.addi %rem3A_21, %select_n3A_20 : i32
    %select_n3A_30 = arith.select %and3A_28, %add3A_29, %rem3A_21 : i32
    %mul3A_31 = arith.constant 512 : i32
    %mul3A_32 = arith.muli %select_n3A_30, %mul3A_31 : i32
    "tpu.region"() ({
      %run_scoped3A = tpu.sem_alloc : memref<!tpu.dma_semaphore, #tpu.memory_space<semaphore_mem>>
      %dma_start3A_218 = tpu.memref_slice %arg3[%select_n3A, %mul3A_32] : memref<4x4096xi32, #tpu.memory_space<hbm>> -> memref<1x512xi32, #tpu.memory_space<hbm>>
      %dma_start3A_219 = tpu.memref_squeeze %dma_start3A_218 : memref<1x512xi32, #tpu.memory_space<hbm>> -> memref<512xi32, #tpu.memory_space<hbm>>
      %dma_start3A_220 = tpu.memref_slice %arg3[%select_n3A, %mul3A_32] : memref<4x4096xi32, #tpu.memory_space<hbm>> -> memref<1x512xi32, #tpu.memory_space<hbm>>
      %dma_start3A_221 = tpu.memref_squeeze %dma_start3A_220 : memref<1x512xi32, #tpu.memory_space<hbm>> -> memref<512xi32, #tpu.memory_space<hbm>>
      tpu.enqueue_dma source(%dma_start3A_221 : memref<512xi32, #tpu.memory_space<hbm>>) target(%arg5 : memref<512xi32, #tpu.memory_space<vmem>>) target_semaphore(%run_scoped3A : memref<!tpu.dma_semaphore, #tpu.memory_space<semaphore_mem>>)
      %dma_wait3A_222 = tpu.memref_slice %arg3[%select_n3A, %mul3A_32] : memref<4x4096xi32, #tpu.memory_space<hbm>> -> memref<1x512xi32, #tpu.memory_space<hbm>>
      %dma_wait3A_223 = tpu.memref_squeeze %dma_wait3A_222 : memref<1x512xi32, #tpu.memory_space<hbm>> -> memref<512xi32, #tpu.memory_space<hbm>>
      %dma_wait3A_224 = tpu.memref_slice %arg3[%select_n3A, %mul3A_32] : memref<4x4096xi32, #tpu.memory_space<hbm>> -> memref<1x512xi32, #tpu.memory_space<hbm>>
      %dma_wait3A_225 = tpu.memref_squeeze %dma_wait3A_224 : memref<1x512xi32, #tpu.memory_space<hbm>> -> memref<512xi32, #tpu.memory_space<hbm>>
      tpu.wait_dma2 semaphore(%run_scoped3A : memref<!tpu.dma_semaphore, #tpu.memory_space<semaphore_mem>>) src(%dma_wait3A_225 : memref<512xi32, #tpu.memory_space<hbm>>) dst(%arg5 : memref<512xi32, #tpu.memory_space<vmem>>)
      tpu.yield
    }) : () -> ()
    %dma_start3A = arith.constant 0 : i32
    %dma_start3A_33 = arith.constant 0 : i32
    %dma_start3A_34 = arith.constant 0 : i32
    %dma_start3A_35 = tpu.memref_slice %arg6[%dma_start3A_33, %dma_start3A_34] : memref<112x1024xf32, #tpu.memory_space<vmem>> -> memref<16x1024xf32, #tpu.memory_space<vmem>>
    %dma_start3A_36 = arith.constant 0 : i32
    %dma_start3A_37 = tpu.memref_slice %arg5[%dma_start3A_36] : memref<512xi32, #tpu.memory_space<vmem>> -> memref<16xi32, #tpu.memory_space<vmem>>
    %dma_start3A_38 = arith.constant 0 : i32
    %dma_start3A_39 = arith.constant 0 : i32
    %dma_start3A_40 = tpu.memref_slice %arg2[%dma_start3A_38, %dma_start3A_39] : memref<100000x1024xf32, #tpu.memory_space<hbm>> -> memref<100000x1024xf32, #tpu.memory_space<hbm>>
    %dma_start3A_41 = tpu.memref_slice %arg7[%dma_start3A] : memref<7x!tpu.dma_semaphore, #tpu.memory_space<semaphore_mem>> -> memref<1x!tpu.dma_semaphore, #tpu.memory_space<semaphore_mem>>
    %dma_start3A_42 = tpu.memref_squeeze %dma_start3A_41 : memref<1x!tpu.dma_semaphore, #tpu.memory_space<semaphore_mem>> -> memref<!tpu.dma_semaphore, #tpu.memory_space<semaphore_mem>>
    tpu.enqueue_indirect_dma source(%dma_start3A_40 : memref<100000x1024xf32, #tpu.memory_space<hbm>>) target(%dma_start3A_35 : memref<16x1024xf32, #tpu.memory_space<vmem>>) offsets(%dma_start3A_37 : memref<16xi32, #tpu.memory_space<vmem>>) semaphore(%dma_start3A_42 : memref<!tpu.dma_semaphore, #tpu.memory_space<semaphore_mem>>)
    %dma_start3A_43 = arith.constant 1 : i32
    %dma_start3A_44 = arith.constant 16 : i32
    %dma_start3A_45 = arith.constant 0 : i32
    %dma_start3A_46 = tpu.memref_slice %arg6[%dma_start3A_44, %dma_start3A_45] : memref<112x1024xf32, #tpu.memory_space<vmem>> -> memref<16x1024xf32, #tpu.memory_space<vmem>>
    %dma_start3A_47 = arith.constant 16 : i32
    %dma_start3A_48 = tpu.memref_slice %arg5[%dma_start3A_47] : memref<512xi32, #tpu.memory_space<vmem>> -> memref<16xi32, #tpu.memory_space<vmem>>
    %dma_start3A_49 = arith.constant 0 : i32
    %dma_start3A_50 = arith.constant 0 : i32
    %dma_start3A_51 = tpu.memref_slice %arg2[%dma_start3A_49, %dma_start3A_50] : memref<100000x1024xf32, #tpu.memory_space<hbm>> -> memref<100000x1024xf32, #tpu.memory_space<hbm>>
    %dma_start3A_52 = tpu.memref_slice %arg7[%dma_start3A_43] : memref<7x!tpu.dma_semaphore, #tpu.memory_space<semaphore_mem>> -> memref<1x!tpu.dma_semaphore, #tpu.memory_space<semaphore_mem>>
    %dma_start3A_53 = tpu.memref_squeeze %dma_start3A_52 : memref<1x!tpu.dma_semaphore, #tpu.memory_space<semaphore_mem>> -> memref<!tpu.dma_semaphore, #tpu.memory_space<semaphore_mem>>
    tpu.enqueue_indirect_dma source(%dma_start3A_51 : memref<100000x1024xf32, #tpu.memory_space<hbm>>) target(%dma_start3A_46 : memref<16x1024xf32, #tpu.memory_space<vmem>>) offsets(%dma_start3A_48 : memref<16xi32, #tpu.memory_space<vmem>>) semaphore(%dma_start3A_53 : memref<!tpu.dma_semaphore, #tpu.memory_space<semaphore_mem>>)
    %dma_start3A_54 = arith.constant 2 : i32
    %dma_start3A_55 = arith.constant 32 : i32
    %dma_start3A_56 = arith.constant 0 : i32
    %dma_start3A_57 = tpu.memref_slice %arg6[%dma_start3A_55, %dma_start3A_56] : memref<112x1024xf32, #tpu.memory_space<vmem>> -> memref<16x1024xf32, #tpu.memory_space<vmem>>
    %dma_start3A_58 = arith.constant 32 : i32
    %dma_start3A_59 = tpu.memref_slice %arg5[%dma_start3A_58] : memref<512xi32, #tpu.memory_space<vmem>> -> memref<16xi32, #tpu.memory_space<vmem>>
    %dma_start3A_60 = arith.constant 0 : i32
    %dma_start3A_61 = arith.constant 0 : i32
    %dma_start3A_62 = tpu.memref_slice %arg2[%dma_start3A_60, %dma_start3A_61] : memref<100000x1024xf32, #tpu.memory_space<hbm>> -> memref<100000x1024xf32, #tpu.memory_space<hbm>>
    %dma_start3A_63 = tpu.memref_slice %arg7[%dma_start3A_54] : memref<7x!tpu.dma_semaphore, #tpu.memory_space<semaphore_mem>> -> memref<1x!tpu.dma_semaphore, #tpu.memory_space<semaphore_mem>>
    %dma_start3A_64 = tpu.memref_squeeze %dma_start3A_63 : memref<1x!tpu.dma_semaphore, #tpu.memory_space<semaphore_mem>> -> memref<!tpu.dma_semaphore, #tpu.memory_space<semaphore_mem>>
    tpu.enqueue_indirect_dma source(%dma_start3A_62 : memref<100000x1024xf32, #tpu.memory_space<hbm>>) target(%dma_start3A_57 : memref<16x1024xf32, #tpu.memory_space<vmem>>) offsets(%dma_start3A_59 : memref<16xi32, #tpu.memory_space<vmem>>) semaphore(%dma_start3A_64 : memref<!tpu.dma_semaphore, #tpu.memory_space<semaphore_mem>>)
    %dma_start3A_65 = arith.constant 3 : i32
    %dma_start3A_66 = arith.constant 48 : i32
    %dma_start3A_67 = arith.constant 0 : i32
    %dma_start3A_68 = tpu.memref_slice %arg6[%dma_start3A_66, %dma_start3A_67] : memref<112x1024xf32, #tpu.memory_space<vmem>> -> memref<16x1024xf32, #tpu.memory_space<vmem>>
    %dma_start3A_69 = arith.constant 48 : i32
    %dma_start3A_70 = tpu.memref_slice %arg5[%dma_start3A_69] : memref<512xi32, #tpu.memory_space<vmem>> -> memref<16xi32, #tpu.memory_space<vmem>>
    %dma_start3A_71 = arith.constant 0 : i32
    %dma_start3A_72 = arith.constant 0 : i32
    %dma_start3A_73 = tpu.memref_slice %arg2[%dma_start3A_71, %dma_start3A_72] : memref<100000x1024xf32, #tpu.memory_space<hbm>> -> memref<100000x1024xf32, #tpu.memory_space<hbm>>
    %dma_start3A_74 = tpu.memref_slice %arg7[%dma_start3A_65] : memref<7x!tpu.dma_semaphore, #tpu.memory_space<semaphore_mem>> -> memref<1x!tpu.dma_semaphore, #tpu.memory_space<semaphore_mem>>
    %dma_start3A_75 = tpu.memref_squeeze %dma_start3A_74 : memref<1x!tpu.dma_semaphore, #tpu.memory_space<semaphore_mem>> -> memref<!tpu.dma_semaphore, #tpu.memory_space<semaphore_mem>>
    tpu.enqueue_indirect_dma source(%dma_start3A_73 : memref<100000x1024xf32, #tpu.memory_space<hbm>>) target(%dma_start3A_68 : memref<16x1024xf32, #tpu.memory_space<vmem>>) offsets(%dma_start3A_70 : memref<16xi32, #tpu.memory_space<vmem>>) semaphore(%dma_start3A_75 : memref<!tpu.dma_semaphore, #tpu.memory_space<semaphore_mem>>)
    %dma_start3A_76 = arith.constant 4 : i32
    %dma_start3A_77 = arith.constant 64 : i32
    %dma_start3A_78 = arith.constant 0 : i32
    %dma_start3A_79 = tpu.memref_slice %arg6[%dma_start3A_77, %dma_start3A_78] : memref<112x1024xf32, #tpu.memory_space<vmem>> -> memref<16x1024xf32, #tpu.memory_space<vmem>>
    %dma_start3A_80 = arith.constant 64 : i32
    %dma_start3A_81 = tpu.memref_slice %arg5[%dma_start3A_80] : memref<512xi32, #tpu.memory_space<vmem>> -> memref<16xi32, #tpu.memory_space<vmem>>
    %dma_start3A_82 = arith.constant 0 : i32
    %dma_start3A_83 = arith.constant 0 : i32
    %dma_start3A_84 = tpu.memref_slice %arg2[%dma_start3A_82, %dma_start3A_83] : memref<100000x1024xf32, #tpu.memory_space<hbm>> -> memref<100000x1024xf32, #tpu.memory_space<hbm>>
    %dma_start3A_85 = tpu.memref_slice %arg7[%dma_start3A_76] : memref<7x!tpu.dma_semaphore, #tpu.memory_space<semaphore_mem>> -> memref<1x!tpu.dma_semaphore, #tpu.memory_space<semaphore_mem>>
    %dma_start3A_86 = tpu.memref_squeeze %dma_start3A_85 : memref<1x!tpu.dma_semaphore, #tpu.memory_space<semaphore_mem>> -> memref<!tpu.dma_semaphore, #tpu.memory_space<semaphore_mem>>
    tpu.enqueue_indirect_dma source(%dma_start3A_84 : memref<100000x1024xf32, #tpu.memory_space<hbm>>) target(%dma_start3A_79 : memref<16x1024xf32, #tpu.memory_space<vmem>>) offsets(%dma_start3A_81 : memref<16xi32, #tpu.memory_space<vmem>>) semaphore(%dma_start3A_86 : memref<!tpu.dma_semaphore, #tpu.memory_space<semaphore_mem>>)
    %scan3A = arith.constant 0 : i32
    %scan3A_87 = arith.constant 0 : i32
    %scan3A_88 = arith.constant 32 : i32
    %scan3A_89 = arith.addi %scan3A_87, %scan3A_88 : i32
    %scan3A_90 = arith.constant 1 : i32
    %scan3A_91 = scf.for %scan3A_218 = %scan3A_87 to %scan3A_89 step %scan3A_90 iter_args(%scan3A_219 = %scan3A) -> (i32)  : i32 {
      %rem3A_220 = arith.constant 7 : i32
      %rem3A_221 = arith.remsi %scan3A_218, %rem3A_220 : i32
      %add3A_222 = arith.constant 5 : i32
      %add3A_223 = arith.addi %scan3A_218, %add3A_222 : i32
      %lt3A_224 = arith.constant 32 : i32
      %lt3A_225 = arith.cmpi slt, %add3A_223, %lt3A_224 : i32
      %convert_element_type3A = arith.extui %lt3A_225 : i1 to i32
      %cond3A = arith.constant 0 : i32
      %cond3A_226 = arith.cmpi ne, %convert_element_type3A, %cond3A : i32
      scf.if %cond3A_226 {
        %rem3A_263 = arith.constant 7 : i32
        %rem3A_264 = arith.remsi %add3A_223, %rem3A_263 : i32
        %ge3A = arith.constant 7 : i32
        %ge3A_265 = arith.cmpi sge, %add3A_223, %ge3A : i32
        %convert_element_type3A_266 = arith.extui %ge3A_265 : i1 to i32
        %cond3A_267 = arith.constant 0 : i32
        %cond3A_268 = arith.cmpi ne, %convert_element_type3A_266, %cond3A_267 : i32
        scf.if %cond3A_268 {
          %mul3A_281 = arith.constant 16 : i32
          %mul3A_282 = arith.muli %rem3A_264, %mul3A_281 : i32
          %dma_wait3A_283 = arith.constant 0 : i32
          %dma_wait3A_284 = arith.constant 0 : i32
          %dma_wait3A_285 = tpu.memref_slice %arg6[%mul3A_282, %dma_wait3A_284] : memref<112x1024xf32, #tpu.memory_space<vmem>> -> memref<16x1024xf32, #tpu.memory_space<vmem>>
          %dma_wait3A_286 = arith.constant 0 : i32
          %dma_wait3A_287 = arith.constant 0 : i32
          %dma_wait3A_288 = tpu.memref_slice %arg4[%dma_wait3A_283, %dma_wait3A_286, %dma_wait3A_287] : memref<4x4096x1024xf32, #tpu.memory_space<hbm>> -> memref<1x16x1024xf32, #tpu.memory_space<hbm>>
          %dma_wait3A_289 = tpu.memref_squeeze %dma_wait3A_288 : memref<1x16x1024xf32, #tpu.memory_space<hbm>> -> memref<16x1024xf32, #tpu.memory_space<hbm>>
          %dma_wait3A_290 = tpu.memref_slice %arg8[%rem3A_264] : memref<7x!tpu.dma_semaphore, #tpu.memory_space<semaphore_mem>> -> memref<1x!tpu.dma_semaphore, #tpu.memory_space<semaphore_mem>>
          %dma_wait3A_291 = tpu.memref_squeeze %dma_wait3A_290 : memref<1x!tpu.dma_semaphore, #tpu.memory_space<semaphore_mem>> -> memref<!tpu.dma_semaphore, #tpu.memory_space<semaphore_mem>>
          %dma_wait3A_292 = arith.constant 0 : i32
          %dma_wait3A_293 = arith.constant 0 : i32
          %dma_wait3A_294 = tpu.memref_slice %arg4[%dma_wait3A_283, %dma_wait3A_292, %dma_wait3A_293] : memref<4x4096x1024xf32, #tpu.memory_space<hbm>> -> memref<1x16x1024xf32, #tpu.memory_space<hbm>>
          %dma_wait3A_295 = tpu.memref_squeeze %dma_wait3A_294 : memref<1x16x1024xf32, #tpu.memory_space<hbm>> -> memref<16x1024xf32, #tpu.memory_space<hbm>>
          %dma_wait3A_296 = arith.constant 0 : i32
          %dma_wait3A_297 = tpu.memref_slice %arg6[%mul3A_282, %dma_wait3A_296] : memref<112x1024xf32, #tpu.memory_space<vmem>> -> memref<16x1024xf32, #tpu.memory_space<vmem>>
          tpu.wait_dma2 semaphore(%dma_wait3A_291 : memref<!tpu.dma_semaphore, #tpu.memory_space<semaphore_mem>>) src(%dma_wait3A_297 : memref<16x1024xf32, #tpu.memory_space<vmem>>) dst(%dma_wait3A_295 : memref<16x1024xf32, #tpu.memory_space<hbm>>)
        } else {
        }
        %mul3A_269 = arith.constant 16 : i32
        %mul3A_270 = arith.muli %add3A_223, %mul3A_269 : i32
        %mul3A_271 = arith.constant 16 : i32
        %mul3A_272 = arith.muli %rem3A_264, %mul3A_271 : i32
        %dma_start3A_273 = arith.constant 0 : i32
        %dma_start3A_274 = tpu.memref_slice %arg6[%mul3A_272, %dma_start3A_273] : memref<112x1024xf32, #tpu.memory_space<vmem>> -> memref<16x1024xf32, #tpu.memory_space<vmem>>
        %dma_start3A_275 = tpu.memref_slice %arg5[%mul3A_270] : memref<512xi32, #tpu.memory_space<vmem>> -> memref<16xi32, #tpu.memory_space<vmem>>
        %dma_start3A_276 = arith.constant 0 : i32
        %dma_start3A_277 = arith.constant 0 : i32
        %dma_start3A_278 = tpu.memref_slice %arg2[%dma_start3A_276, %dma_start3A_277] : memref<100000x1024xf32, #tpu.memory_space<hbm>> -> memref<100000x1024xf32, #tpu.memory_space<hbm>>
        %dma_start3A_279 = tpu.memref_slice %arg7[%rem3A_264] : memref<7x!tpu.dma_semaphore, #tpu.memory_space<semaphore_mem>> -> memref<1x!tpu.dma_semaphore, #tpu.memory_space<semaphore_mem>>
        %dma_start3A_280 = tpu.memref_squeeze %dma_start3A_279 : memref<1x!tpu.dma_semaphore, #tpu.memory_space<semaphore_mem>> -> memref<!tpu.dma_semaphore, #tpu.memory_space<semaphore_mem>>
        tpu.enqueue_indirect_dma source(%dma_start3A_278 : memref<100000x1024xf32, #tpu.memory_space<hbm>>) target(%dma_start3A_274 : memref<16x1024xf32, #tpu.memory_space<vmem>>) offsets(%dma_start3A_275 : memref<16xi32, #tpu.memory_space<vmem>>) semaphore(%dma_start3A_280 : memref<!tpu.dma_semaphore, #tpu.memory_space<semaphore_mem>>)
      } else {
      }
      %mul3A_227 = arith.constant 16 : i32
      %mul3A_228 = arith.muli %rem3A_221, %mul3A_227 : i32
      %dma_wait3A_229 = arith.constant 0 : i32
      %dma_wait3A_230 = tpu.memref_slice %arg6[%mul3A_228, %dma_wait3A_229] : memref<112x1024xf32, #tpu.memory_space<vmem>> -> memref<16x1024xf32, #tpu.memory_space<vmem>>
      %dma_wait3A_231 = arith.constant 0 : i32
      %dma_wait3A_232 = arith.constant 0 : i32
      %dma_wait3A_233 = tpu.memref_slice %arg2[%dma_wait3A_231, %dma_wait3A_232] : memref<100000x1024xf32, #tpu.memory_space<hbm>> -> memref<16x1024xf32, #tpu.memory_space<hbm>>
      %dma_wait3A_234 = tpu.memref_slice %arg7[%rem3A_221] : memref<7x!tpu.dma_semaphore, #tpu.memory_space<semaphore_mem>> -> memref<1x!tpu.dma_semaphore, #tpu.memory_space<semaphore_mem>>
      %dma_wait3A_235 = tpu.memref_squeeze %dma_wait3A_234 : memref<1x!tpu.dma_semaphore, #tpu.memory_space<semaphore_mem>> -> memref<!tpu.dma_semaphore, #tpu.memory_space<semaphore_mem>>
      %dma_wait3A_236 = arith.constant 0 : i32
      %dma_wait3A_237 = tpu.memref_slice %arg6[%mul3A_228, %dma_wait3A_236] : memref<112x1024xf32, #tpu.memory_space<vmem>> -> memref<16x1024xf32, #tpu.memory_space<vmem>>
      %dma_wait3A_238 = arith.constant 0 : i32
      %dma_wait3A_239 = arith.constant 0 : i32
      %dma_wait3A_240 = tpu.memref_slice %arg2[%dma_wait3A_238, %dma_wait3A_239] : memref<100000x1024xf32, #tpu.memory_space<hbm>> -> memref<16x1024xf32, #tpu.memory_space<hbm>>
      tpu.wait_dma2 semaphore(%dma_wait3A_235 : memref<!tpu.dma_semaphore, #tpu.memory_space<semaphore_mem>>) src(%dma_wait3A_240 : memref<16x1024xf32, #tpu.memory_space<hbm>>) dst(%dma_wait3A_237 : memref<16x1024xf32, #tpu.memory_space<vmem>>)
      %mul3A_241 = arith.constant 16 : i32
      %mul3A_242 = arith.muli %rem3A_221, %mul3A_241 : i32
      %parallel_loop3A = arith.constant 0 : i32
      %parallel_loop3A_243 = arith.constant 16 : i32
      %parallel_loop3A_244 = arith.constant 1 : i32
      scf.for %parallel_loop3A_263 = %parallel_loop3A to %parallel_loop3A_243 step %parallel_loop3A_244  : i32 {
        %parallel_loop3A_264 = arith.addi %mul3A_242, %parallel_loop3A_263 : i32
        %parallel_loop3A_265 = arith.index_cast %parallel_loop3A_264 : i32 to index
        %parallel_loop3A_266 = arith.constant 0 : index
        %parallel_loop3A_267 = tpu.vector_load %arg6[%parallel_loop3A_265, %parallel_loop3A_266] {strides = array<i32>} : memref<112x1024xf32, #tpu.memory_space<vmem>>, vector<1x16xf32>,
        %parallel_loop3A_268 = vector.shape_cast %parallel_loop3A_267 : vector<1x16xf32> to vector<16xf32>
        %parallel_loop3A_269 = arith.constant 3.200000e+01 : f32
        %parallel_loop3A_270 = vector.broadcast %parallel_loop3A_269 : f32 to vector<16xf32>
        %parallel_loop3A_271 = arith.mulf %parallel_loop3A_268, %parallel_loop3A_270 : vector<16xf32>
        %parallel_loop3A_272 = arith.addi %mul3A_242, %parallel_loop3A_263 : i32
        %parallel_loop3A_273 = arith.index_cast %parallel_loop3A_272 : i32 to index
        %parallel_loop3A_274 = arith.constant 0 : index
        %parallel_loop3A_275 = tpu.vector_load %arg6[%parallel_loop3A_273, %parallel_loop3A_274] {strides = array<i32>} : memref<112x1024xf32, #tpu.memory_space<vmem>>, vector<1x16xf32>,
        %parallel_loop3A_276 = vector.shape_cast %parallel_loop3A_275 : vector<1x16xf32> to vector<16xf32>
        %parallel_loop3A_277 = vector.shape_cast %parallel_loop3A_271 : vector<16xf32> to vector<1x16xf32>
        tpu.vector_store %arg6[%parallel_loop3A_273, %parallel_loop3A_274], %parallel_loop3A_277 {strides = array<i32>} : memref<112x1024xf32, #tpu.memory_space<vmem>>, vector<1x16xf32>,
        %parallel_loop3A_278 = arith.addi %mul3A_242, %parallel_loop3A_263 : i32
        %parallel_loop3A_279 = arith.index_cast %parallel_loop3A_278 : i32 to index
        %parallel_loop3A_280 = arith.constant 16 : index
        %parallel_loop3A_281 = tpu.vector_load %arg6[%parallel_loop3A_279, %parallel_loop3A_280] {strides = array<i32>} : memref<112x1024xf32, #tpu.memory_space<vmem>>, vector<1x16xf32>,
        %parallel_loop3A_282 = vector.shape_cast %parallel_loop3A_281 : vector<1x16xf32> to vector<16xf32>
        %parallel_loop3A_283 = arith.constant 3.200000e+01 : f32
        %parallel_loop3A_284 = vector.broadcast %parallel_loop3A_283 : f32 to vector<16xf32>
        %parallel_loop3A_285 = arith.mulf %parallel_loop3A_282, %parallel_loop3A_284 : vector<16xf32>
        %parallel_loop3A_286 = arith.addi %mul3A_242, %parallel_loop3A_263 : i32
        %parallel_loop3A_287 = arith.index_cast %parallel_loop3A_286 : i32 to index
        %parallel_loop3A_288 = arith.constant 16 : index
        %parallel_loop3A_289 = tpu.vector_load %arg6[%parallel_loop3A_287, %parallel_loop3A_288] {strides = array<i32>} : memref<112x1024xf32, #tpu.memory_space<vmem>>, vector<1x16xf32>,
        %parallel_loop3A_290 = vector.shape_cast %parallel_loop3A_289 : vector<1x16xf32> to vector<16xf32>
        %parallel_loop3A_291 = vector.shape_cast %parallel_loop3A_285 : vector<16xf32> to vector<1x16xf32>
        tpu.vector_store %arg6[%parallel_loop3A_287, %parallel_loop3A_288], %parallel_loop3A_291 {strides = array<i32>} : memref<112x1024xf32, #tpu.memory_space<vmem>>, vector<1x16xf32>,
        %parallel_loop3A_292 = arith.addi %mul3A_242, %parallel_loop3A_263 : i32
        %parallel_loop3A_293 = arith.index_cast %parallel_loop3A_292 : i32 to index
        %parallel_loop3A_294 = arith.constant 32 : index
        %parallel_loop3A_295 = tpu.vector_load %arg6[%parallel_loop3A_293, %parallel_loop3A_294] {strides = array<i32>} : memref<112x1024xf32, #tpu.memory_space<vmem>>, vector<1x16xf32>,
        %parallel_loop3A_296 = vector.shape_cast %parallel_loop3A_295 : vector<1x16xf32> to vector<16xf32>
        %parallel_loop3A_297 = arith.constant 3.200000e+01 : f32
        %parallel_loop3A_298 = vector.broadcast %parallel_loop3A_297 : f32 to vector<16xf32>
        %parallel_loop3A_299 = arith.mulf %parallel_loop3A_296, %parallel_loop3A_298 : vector<16xf32>
        %parallel_loop3A_300 = arith.addi %mul3A_242, %parallel_loop3A_263 : i32
        %parallel_loop3A_301 = arith.index_cast %parallel_loop3A_300 : i32 to index
        %parallel_loop3A_302 = arith.constant 32 : index
        %parallel_loop3A_303 = tpu.vector_load %arg6[%parallel_loop3A_301, %parallel_loop3A_302] {strides = array<i32>} : memref<112x1024xf32, #tpu.memory_space<vmem>>, vector<1x16xf32>,
        %parallel_loop3A_304 = vector.shape_cast %parallel_loop3A_303 : vector<1x16xf32> to vector<16xf32>
        %parallel_loop3A_305 = vector.shape_cast %parallel_loop3A_299 : vector<16xf32> to vector<1x16xf32>
        tpu.vector_store %arg6[%parallel_loop3A_301, %parallel_loop3A_302], %parallel_loop3A_305 {strides = array<i32>} : memref<112x1024xf32, #tpu.memory_space<vmem>>, vector<1x16xf32>,
        %parallel_loop3A_306 = arith.addi %mul3A_242, %parallel_loop3A_263 : i32
        %parallel_loop3A_307 = arith.index_cast %parallel_loop3A_306 : i32 to index
        %parallel_loop3A_308 = arith.constant 48 : index
        %parallel_loop3A_309 = tpu.vector_load %arg6[%parallel_loop3A_307, %parallel_loop3A_308] {strides = array<i32>} : memref<112x1024xf32, #tpu.memory_space<vmem>>, vector<1x16xf32>,
        %parallel_loop3A_310 = vector.shape_cast %parallel_loop3A_309 : vector<1x16xf32> to vector<16xf32>
        %parallel_loop3A_311 = arith.constant 3.200000e+01 : f32
        %parallel_loop3A_312 = vector.broadcast %parallel_loop3A_311 : f32 to vector<16xf32>
        %parallel_loop3A_313 = arith.mulf %parallel_loop3A_310, %parallel_loop3A_312 : vector<16xf32>
        %parallel_loop3A_314 = arith.addi %mul3A_242, %parallel_loop3A_263 : i32
        %parallel_loop3A_315 = arith.index_cast %parallel_loop3A_314 : i32 to index
        %parallel_loop3A_316 = arith.constant 48 : index
        %parallel_loop3A_317 = tpu.vector_load %arg6[%parallel_loop3A_315, %parallel_loop3A_316] {strides = array<i32>} : memref<112x1024xf32, #tpu.memory_space<vmem>>, vector<1x16xf32>,
        %parallel_loop3A_318 = vector.shape_cast %parallel_loop3A_317 : vector<1x16xf32> to vector<16xf32>
        %parallel_loop3A_319 = vector.shape_cast %parallel_loop3A_313 : vector<16xf32> to vector<1x16xf32>
        tpu.vector_store %arg6[%parallel_loop3A_315, %parallel_loop3A_316], %parallel_loop3A_319 {strides = array<i32>} : memref<112x1024xf32, #tpu.memory_space<vmem>>, vector<1x16xf32>,
        %parallel_loop3A_320 = arith.addi %mul3A_242, %parallel_loop3A_263 : i32
        %parallel_loop3A_321 = arith.index_cast %parallel_loop3A_320 : i32 to index
        %parallel_loop3A_322 = arith.constant 64 : index
        %parallel_loop3A_323 = tpu.vector_load %arg6[%parallel_loop3A_321, %parallel_loop3A_322] {strides = array<i32>} : memref<112x1024xf32, #tpu.memory_space<vmem>>, vector<1x16xf32>,
        %parallel_loop3A_324 = vector.shape_cast %parallel_loop3A_323 : vector<1x16xf32> to vector<16xf32>
        %parallel_loop3A_325 = arith.constant 3.200000e+01 : f32
        %parallel_loop3A_326 = vector.broadcast %parallel_loop3A_325 : f32 to vector<16xf32>
        %parallel_loop3A_327 = arith.mulf %parallel_loop3A_324, %parallel_loop3A_326 : vector<16xf32>
        %parallel_loop3A_328 = arith.addi %mul3A_242, %parallel_loop3A_263 : i32
        %parallel_loop3A_329 = arith.index_cast %parallel_loop3A_328 : i32 to index
        %parallel_loop3A_330 = arith.constant 64 : index
        %parallel_loop3A_331 = tpu.vector_load %arg6[%parallel_loop3A_329, %parallel_loop3A_330] {strides = array<i32>} : memref<112x1024xf32, #tpu.memory_space<vmem>>, vector<1x16xf32>,
        %parallel_loop3A_332 = vector.shape_cast %parallel_loop3A_331 : vector<1x16xf32> to vector<16xf32>
        %parallel_loop3A_333 = vector.shape_cast %parallel_loop3A_327 : vector<16xf32> to vector<1x16xf32>
        tpu.vector_store %arg6[%parallel_loop3A_329, %parallel_loop3A_330], %parallel_loop3A_333 {strides = array<i32>} : memref<112x1024xf32, #tpu.memory_space<vmem>>, vector<1x16xf32>,
        %parallel_loop3A_334 = arith.addi %mul3A_242, %parallel_loop3A_263 : i32
        %parallel_loop3A_335 = arith.index_cast %parallel_loop3A_334 : i32 to index
        %parallel_loop3A_336 = arith.constant 80 : index
        %parallel_loop3A_337 = tpu.vector_load %arg6[%parallel_loop3A_335, %parallel_loop3A_336] {strides = array<i32>} : memref<112x1024xf32, #tpu.memory_space<vmem>>, vector<1x16xf32>,
        %parallel_loop3A_338 = vector.shape_cast %parallel_loop3A_337 : vector<1x16xf32> to vector<16xf32>
        %parallel_loop3A_339 = arith.constant 3.200000e+01 : f32
        %parallel_loop3A_340 = vector.broadcast %parallel_loop3A_339 : f32 to vector<16xf32>
        %parallel_loop3A_341 = arith.mulf %parallel_loop3A_338, %parallel_loop3A_340 : vector<16xf32>
        %parallel_loop3A_342 = arith.addi %mul3A_242, %parallel_loop3A_263 : i32
        %parallel_loop3A_343 = arith.index_cast %parallel_loop3A_342 : i32 to index
        %parallel_loop3A_344 = arith.constant 80 : index
        %parallel_loop3A_345 = tpu.vector_load %arg6[%parallel_loop3A_343, %parallel_loop3A_344] {strides = array<i32>} : memref<112x1024xf32, #tpu.memory_space<vmem>>, vector<1x16xf32>,
        %parallel_loop3A_346 = vector.shape_cast %parallel_loop3A_345 : vector<1x16xf32> to vector<16xf32>
        %parallel_loop3A_347 = vector.shape_cast %parallel_loop3A_341 : vector<16xf32> to vector<1x16xf32>
        tpu.vector_store %arg6[%parallel_loop3A_343, %parallel_loop3A_344], %parallel_loop3A_347 {strides = array<i32>} : memref<112x1024xf32, #tpu.memory_space<vmem>>, vector<1x16xf32>,
        %parallel_loop3A_348 = arith.addi %mul3A_242, %parallel_loop3A_263 : i32
        %parallel_loop3A_349 = arith.index_cast %parallel_loop3A_348 : i32 to index
        %parallel_loop3A_350 = arith.constant 96 : index
        %parallel_loop3A_351 = tpu.vector_load %arg6[%parallel_loop3A_349, %parallel_loop3A_350] {strides = array<i32>} : memref<112x1024xf32, #tpu.memory_space<vmem>>, vector<1x16xf32>,
        %parallel_loop3A_352 = vector.shape_cast %parallel_loop3A_351 : vector<1x16xf32> to vector<16xf32>
        %parallel_loop3A_353 = arith.constant 3.200000e+01 : f32
        %parallel_loop3A_354 = vector.broadcast %parallel_loop3A_353 : f32 to vector<16xf32>
        %parallel_loop3A_355 = arith.mulf %parallel_loop3A_352, %parallel_loop3A_354 : vector<16xf32>
        %parallel_loop3A_356 = arith.addi %mul3A_242, %parallel_loop3A_263 : i32
        %parallel_loop3A_357 = arith.index_cast %parallel_loop3A_356 : i32 to index
        %parallel_loop3A_358 = arith.constant 96 : index
        %parallel_loop3A_359 = tpu.vector_load %arg6[%parallel_loop3A_357, %parallel_loop3A_358] {strides = array<i32>} : memref<112x1024xf32, #tpu.memory_space<vmem>>, vector<1x16xf32>,
        %parallel_loop3A_360 = vector.shape_cast %parallel_loop3A_359 : vector<1x16xf32> to vector<16xf32>
        %parallel_loop3A_361 = vector.shape_cast %parallel_loop3A_355 : vector<16xf32> to vector<1x16xf32>
        tpu.vector_store %arg6[%parallel_loop3A_357, %parallel_loop3A_358], %parallel_loop3A_361 {strides = array<i32>} : memref<112x1024xf32, #tpu.memory_space<vmem>>, vector<1x16xf32>,
        %parallel_loop3A_362 = arith.addi %mul3A_242, %parallel_loop3A_263 : i32
        %parallel_loop3A_363 = arith.index_cast %parallel_loop3A_362 : i32 to index
        %parallel_loop3A_364 = arith.constant 112 : index
        %parallel_loop3A_365 = tpu.vector_load %arg6[%parallel_loop3A_363, %parallel_loop3A_364] {strides = array<i32>} : memref<112x1024xf32, #tpu.memory_space<vmem>>, vector<1x16xf32>,
        %parallel_loop3A_366 = vector.shape_cast %parallel_loop3A_365 : vector<1x16xf32> to vector<16xf32>
        %parallel_loop3A_367 = arith.constant 3.200000e+01 : f32
        %parallel_loop3A_368 = vector.broadcast %parallel_loop3A_367 : f32 to vector<16xf32>
        %parallel_loop3A_369 = arith.mulf %parallel_loop3A_366, %parallel_loop3A_368 : vector<16xf32>
        %parallel_loop3A_370 = arith.addi %mul3A_242, %parallel_loop3A_263 : i32
        %parallel_loop3A_371 = arith.index_cast %parallel_loop3A_370 : i32 to index
        %parallel_loop3A_372 = arith.constant 112 : index
        %parallel_loop3A_373 = tpu.vector_load %arg6[%parallel_loop3A_371, %parallel_loop3A_372] {strides = array<i32>} : memref<112x1024xf32, #tpu.memory_space<vmem>>, vector<1x16xf32>,
        %parallel_loop3A_374 = vector.shape_cast %parallel_loop3A_373 : vector<1x16xf32> to vector<16xf32>
        %parallel_loop3A_375 = vector.shape_cast %parallel_loop3A_369 : vector<16xf32> to vector<1x16xf32>
        tpu.vector_store %arg6[%parallel_loop3A_371, %parallel_loop3A_372], %parallel_loop3A_375 {strides = array<i32>} : memref<112x1024xf32, #tpu.memory_space<vmem>>, vector<1x16xf32>,
        %parallel_loop3A_376 = arith.addi %mul3A_242, %parallel_loop3A_263 : i32
        %parallel_loop3A_377 = arith.index_cast %parallel_loop3A_376 : i32 to index
        %parallel_loop3A_378 = arith.constant 128 : index
        %parallel_loop3A_379 = tpu.vector_load %arg6[%parallel_loop3A_377, %parallel_loop3A_378] {strides = array<i32>} : memref<112x1024xf32, #tpu.memory_space<vmem>>, vector<1x16xf32>,
        %parallel_loop3A_380 = vector.shape_cast %parallel_loop3A_379 : vector<1x16xf32> to vector<16xf32>
        %parallel_loop3A_381 = arith.constant 3.200000e+01 : f32
        %parallel_loop3A_382 = vector.broadcast %parallel_loop3A_381 : f32 to vector<16xf32>
        %parallel_loop3A_383 = arith.mulf %parallel_loop3A_380, %parallel_loop3A_382 : vector<16xf32>
        %parallel_loop3A_384 = arith.addi %mul3A_242, %parallel_loop3A_263 : i32
        %parallel_loop3A_385 = arith.index_cast %parallel_loop3A_384 : i32 to index
        %parallel_loop3A_386 = arith.constant 128 : index
        %parallel_loop3A_387 = tpu.vector_load %arg6[%parallel_loop3A_385, %parallel_loop3A_386] {strides = array<i32>} : memref<112x1024xf32, #tpu.memory_space<vmem>>, vector<1x16xf32>,
        %parallel_loop3A_388 = vector.shape_cast %parallel_loop3A_387 : vector<1x16xf32> to vector<16xf32>
        %parallel_loop3A_389 = vector.shape_cast %parallel_loop3A_383 : vector<16xf32> to vector<1x16xf32>
        tpu.vector_store %arg6[%parallel_loop3A_385, %parallel_loop3A_386], %parallel_loop3A_389 {strides = array<i32>} : memref<112x1024xf32, #tpu.memory_space<vmem>>, vector<1x16xf32>,
        %parallel_loop3A_390 = arith.addi %mul3A_242, %parallel_loop3A_263 : i32
        %parallel_loop3A_391 = arith.index_cast %parallel_loop3A_390 : i32 to index
        %parallel_loop3A_392 = arith.constant 144 : index
        %parallel_loop3A_393 = tpu.vector_load %arg6[%parallel_loop3A_391, %parallel_loop3A_392] {strides = array<i32>} : memref<112x1024xf32, #tpu.memory_space<vmem>>, vector<1x16xf32>,
        %parallel_loop3A_394 = vector.shape_cast %parallel_loop3A_393 : vector<1x16xf32> to vector<16xf32>
        %parallel_loop3A_395 = arith.constant 3.200000e+01 : f32
        %parallel_loop3A_396 = vector.broadcast %parallel_loop3A_395 : f32 to vector<16xf32>
        %parallel_loop3A_397 = arith.mulf %parallel_loop3A_394, %parallel_loop3A_396 : vector<16xf32>
        %parallel_loop3A_398 = arith.addi %mul3A_242, %parallel_loop3A_263 : i32
        %parallel_loop3A_399 = arith.index_cast %parallel_loop3A_398 : i32 to index
        %parallel_loop3A_400 = arith.constant 144 : index
        %parallel_loop3A_401 = tpu.vector_load %arg6[%parallel_loop3A_399, %parallel_loop3A_400] {strides = array<i32>} : memref<112x1024xf32, #tpu.memory_space<vmem>>, vector<1x16xf32>,
        %parallel_loop3A_402 = vector.shape_cast %parallel_loop3A_401 : vector<1x16xf32> to vector<16xf32>
        %parallel_loop3A_403 = vector.shape_cast %parallel_loop3A_397 : vector<16xf32> to vector<1x16xf32>
        tpu.vector_store %arg6[%parallel_loop3A_399, %parallel_loop3A_400], %parallel_loop3A_403 {strides = array<i32>} : memref<112x1024xf32, #tpu.memory_space<vmem>>, vector<1x16xf32>,
        %parallel_loop3A_404 = arith.addi %mul3A_242, %parallel_loop3A_263 : i32
        %parallel_loop3A_405 = arith.index_cast %parallel_loop3A_404 : i32 to index
        %parallel_loop3A_406 = arith.constant 160 : index
        %parallel_loop3A_407 = tpu.vector_load %arg6[%parallel_loop3A_405, %parallel_loop3A_406] {strides = array<i32>} : memref<112x1024xf32, #tpu.memory_space<vmem>>, vector<1x16xf32>,
        %parallel_loop3A_408 = vector.shape_cast %parallel_loop3A_407 : vector<1x16xf32> to vector<16xf32>
        %parallel_loop3A_409 = arith.constant 3.200000e+01 : f32
        %parallel_loop3A_410 = vector.broadcast %parallel_loop3A_409 : f32 to vector<16xf32>
        %parallel_loop3A_411 = arith.mulf %parallel_loop3A_408, %parallel_loop3A_410 : vector<16xf32>
        %parallel_loop3A_412 = arith.addi %mul3A_242, %parallel_loop3A_263 : i32
        %parallel_loop3A_413 = arith.index_cast %parallel_loop3A_412 : i32 to index
        %parallel_loop3A_414 = arith.constant 160 : index
        %parallel_loop3A_415 = tpu.vector_load %arg6[%parallel_loop3A_413, %parallel_loop3A_414] {strides = array<i32>} : memref<112x1024xf32, #tpu.memory_space<vmem>>, vector<1x16xf32>,
        %parallel_loop3A_416 = vector.shape_cast %parallel_loop3A_415 : vector<1x16xf32> to vector<16xf32>
        %parallel_loop3A_417 = vector.shape_cast %parallel_loop3A_411 : vector<16xf32> to vector<1x16xf32>
        tpu.vector_store %arg6[%parallel_loop3A_413, %parallel_loop3A_414], %parallel_loop3A_417 {strides = array<i32>} : memref<112x1024xf32, #tpu.memory_space<vmem>>, vector<1x16xf32>,
        %parallel_loop3A_418 = arith.addi %mul3A_242, %parallel_loop3A_263 : i32
        %parallel_loop3A_419 = arith.index_cast %parallel_loop3A_418 : i32 to index
        %parallel_loop3A_420 = arith.constant 176 : index
        %parallel_loop3A_421 = tpu.vector_load %arg6[%parallel_loop3A_419, %parallel_loop3A_420] {strides = array<i32>} : memref<112x1024xf32, #tpu.memory_space<vmem>>, vector<1x16xf32>,
        %parallel_loop3A_422 = vector.shape_cast %parallel_loop3A_421 : vector<1x16xf32> to vector<16xf32>
        %parallel_loop3A_423 = arith.constant 3.200000e+01 : f32
        %parallel_loop3A_424 = vector.broadcast %parallel_loop3A_423 : f32 to vector<16xf32>
        %parallel_loop3A_425 = arith.mulf %parallel_loop3A_422, %parallel_loop3A_424 : vector<16xf32>
        %parallel_loop3A_426 = arith.addi %mul3A_242, %parallel_loop3A_263 : i32
        %parallel_loop3A_427 = arith.index_cast %parallel_loop3A_426 : i32 to index
        %parallel_loop3A_428 = arith.constant 176 : index
        %parallel_loop3A_429 = tpu.vector_load %arg6[%parallel_loop3A_427, %parallel_loop3A_428] {strides = array<i32>} : memref<112x1024xf32, #tpu.memory_space<vmem>>, vector<1x16xf32>,
        %parallel_loop3A_430 = vector.shape_cast %parallel_loop3A_429 : vector<1x16xf32> to vector<16xf32>
        %parallel_loop3A_431 = vector.shape_cast %parallel_loop3A_425 : vector<16xf32> to vector<1x16xf32>
        tpu.vector_store %arg6[%parallel_loop3A_427, %parallel_loop3A_428], %parallel_loop3A_431 {strides = array<i32>} : memref<112x1024xf32, #tpu.memory_space<vmem>>, vector<1x16xf32>,
        %parallel_loop3A_432 = arith.addi %mul3A_242, %parallel_loop3A_263 : i32
        %parallel_loop3A_433 = arith.index_cast %parallel_loop3A_432 : i32 to index
        %parallel_loop3A_434 = arith.constant 192 : index
        %parallel_loop3A_435 = tpu.vector_load %arg6[%parallel_loop3A_433, %parallel_loop3A_434] {strides = array<i32>} : memref<112x1024xf32, #tpu.memory_space<vmem>>, vector<1x16xf32>,
        %parallel_loop3A_436 = vector.shape_cast %parallel_loop3A_435 : vector<1x16xf32> to vector<16xf32>
        %parallel_loop3A_437 = arith.constant 3.200000e+01 : f32
        %parallel_loop3A_438 = vector.broadcast %parallel_loop3A_437 : f32 to vector<16xf32>
        %parallel_loop3A_439 = arith.mulf %parallel_loop3A_436, %parallel_loop3A_438 : vector<16xf32>
        %parallel_loop3A_440 = arith.addi %mul3A_242, %parallel_loop3A_263 : i32
        %parallel_loop3A_441 = arith.index_cast %parallel_loop3A_440 : i32 to index
        %parallel_loop3A_442 = arith.constant 192 : index
        %parallel_loop3A_443 = tpu.vector_load %arg6[%parallel_loop3A_441, %parallel_loop3A_442] {strides = array<i32>} : memref<112x1024xf32, #tpu.memory_space<vmem>>, vector<1x16xf32>,
        %parallel_loop3A_444 = vector.shape_cast %parallel_loop3A_443 : vector<1x16xf32> to vector<16xf32>
        %parallel_loop3A_445 = vector.shape_cast %parallel_loop3A_439 : vector<16xf32> to vector<1x16xf32>
        tpu.vector_store %arg6[%parallel_loop3A_441, %parallel_loop3A_442], %parallel_loop3A_445 {strides = array<i32>} : memref<112x1024xf32, #tpu.memory_space<vmem>>, vector<1x16xf32>,
        %parallel_loop3A_446 = arith.addi %mul3A_242, %parallel_loop3A_263 : i32
        %parallel_loop3A_447 = arith.index_cast %parallel_loop3A_446 : i32 to index
        %parallel_loop3A_448 = arith.constant 208 : index
        %parallel_loop3A_449 = tpu.vector_load %arg6[%parallel_loop3A_447, %parallel_loop3A_448] {strides = array<i32>} : memref<112x1024xf32, #tpu.memory_space<vmem>>, vector<1x16xf32>,
        %parallel_loop3A_450 = vector.shape_cast %parallel_loop3A_449 : vector<1x16xf32> to vector<16xf32>
        %parallel_loop3A_451 = arith.constant 3.200000e+01 : f32
        %parallel_loop3A_452 = vector.broadcast %parallel_loop3A_451 : f32 to vector<16xf32>
        %parallel_loop3A_453 = arith.mulf %parallel_loop3A_450, %parallel_loop3A_452 : vector<16xf32>
        %parallel_loop3A_454 = arith.addi %mul3A_242, %parallel_loop3A_263 : i32
        %parallel_loop3A_455 = arith.index_cast %parallel_loop3A_454 : i32 to index
        %parallel_loop3A_456 = arith.constant 208 : index
        %parallel_loop3A_457 = tpu.vector_load %arg6[%parallel_loop3A_455, %parallel_loop3A_456] {strides = array<i32>} : memref<112x1024xf32, #tpu.memory_space<vmem>>, vector<1x16xf32>,
        %parallel_loop3A_458 = vector.shape_cast %parallel_loop3A_457 : vector<1x16xf32> to vector<16xf32>
        %parallel_loop3A_459 = vector.shape_cast %parallel_loop3A_453 : vector<16xf32> to vector<1x16xf32>
        tpu.vector_store %arg6[%parallel_loop3A_455, %parallel_loop3A_456], %parallel_loop3A_459 {strides = array<i32>} : memref<112x1024xf32, #tpu.memory_space<vmem>>, vector<1x16xf32>,
        %parallel_loop3A_460 = arith.addi %mul3A_242, %parallel_loop3A_263 : i32
        %parallel_loop3A_461 = arith.index_cast %parallel_loop3A_460 : i32 to index
        %parallel_loop3A_462 = arith.constant 224 : index
        %parallel_loop3A_463 = tpu.vector_load %arg6[%parallel_loop3A_461, %parallel_loop3A_462] {strides = array<i32>} : memref<112x1024xf32, #tpu.memory_space<vmem>>, vector<1x16xf32>,
        %parallel_loop3A_464 = vector.shape_cast %parallel_loop3A_463 : vector<1x16xf32> to vector<16xf32>
        %parallel_loop3A_465 = arith.constant 3.200000e+01 : f32
        %parallel_loop3A_466 = vector.broadcast %parallel_loop3A_465 : f32 to vector<16xf32>
        %parallel_loop3A_467 = arith.mulf %parallel_loop3A_464, %parallel_loop3A_466 : vector<16xf32>
        %parallel_loop3A_468 = arith.addi %mul3A_242, %parallel_loop3A_263 : i32
        %parallel_loop3A_469 = arith.index_cast %parallel_loop3A_468 : i32 to index
        %parallel_loop3A_470 = arith.constant 224 : index
        %parallel_loop3A_471 = tpu.vector_load %arg6[%parallel_loop3A_469, %parallel_loop3A_470] {strides = array<i32>} : memref<112x1024xf32, #tpu.memory_space<vmem>>, vector<1x16xf32>,
        %parallel_loop3A_472 = vector.shape_cast %parallel_loop3A_471 : vector<1x16xf32> to vector<16xf32>
        %parallel_loop3A_473 = vector.shape_cast %parallel_loop3A_467 : vector<16xf32> to vector<1x16xf32>
        tpu.vector_store %arg6[%parallel_loop3A_469, %parallel_loop3A_470], %parallel_loop3A_473 {strides = array<i32>} : memref<112x1024xf32, #tpu.memory_space<vmem>>, vector<1x16xf32>,
        %parallel_loop3A_474 = arith.addi %mul3A_242, %parallel_loop3A_263 : i32
        %parallel_loop3A_475 = arith.index_cast %parallel_loop3A_474 : i32 to index
        %parallel_loop3A_476 = arith.constant 240 : index
        %parallel_loop3A_477 = tpu.vector_load %arg6[%parallel_loop3A_475, %parallel_loop3A_476] {strides = array<i32>} : memref<112x1024xf32, #tpu.memory_space<vmem>>, vector<1x16xf32>,
        %parallel_loop3A_478 = vector.shape_cast %parallel_loop3A_477 : vector<1x16xf32> to vector<16xf32>
        %parallel_loop3A_479 = arith.constant 3.200000e+01 : f32
        %parallel_loop3A_480 = vector.broadcast %parallel_loop3A_479 : f32 to vector<16xf32>
        %parallel_loop3A_481 = arith.mulf %parallel_loop3A_478, %parallel_loop3A_480 : vector<16xf32>
        %parallel_loop3A_482 = arith.addi %mul3A_242, %parallel_loop3A_263 : i32
        %parallel_loop3A_483 = arith.index_cast %parallel_loop3A_482 : i32 to index
        %parallel_loop3A_484 = arith.constant 240 : index
        %parallel_loop3A_485 = tpu.vector_load %arg6[%parallel_loop3A_483, %parallel_loop3A_484] {strides = array<i32>} : memref<112x1024xf32, #tpu.memory_space<vmem>>, vector<1x16xf32>,
        %parallel_loop3A_486 = vector.shape_cast %parallel_loop3A_485 : vector<1x16xf32> to vector<16xf32>
        %parallel_loop3A_487 = vector.shape_cast %parallel_loop3A_481 : vector<16xf32> to vector<1x16xf32>
        tpu.vector_store %arg6[%parallel_loop3A_483, %parallel_loop3A_484], %parallel_loop3A_487 {strides = array<i32>} : memref<112x1024xf32, #tpu.memory_space<vmem>>, vector<1x16xf32>,
        %parallel_loop3A_488 = arith.addi %mul3A_242, %parallel_loop3A_263 : i32
        %parallel_loop3A_489 = arith.index_cast %parallel_loop3A_488 : i32 to index
        %parallel_loop3A_490 = arith.constant 256 : index
        %parallel_loop3A_491 = tpu.vector_load %arg6[%parallel_loop3A_489, %parallel_loop3A_490] {strides = array<i32>} : memref<112x1024xf32, #tpu.memory_space<vmem>>, vector<1x16xf32>,
        %parallel_loop3A_492 = vector.shape_cast %parallel_loop3A_491 : vector<1x16xf32> to vector<16xf32>
        %parallel_loop3A_493 = arith.constant 3.200000e+01 : f32
        %parallel_loop3A_494 = vector.broadcast %parallel_loop3A_493 : f32 to vector<16xf32>
        %parallel_loop3A_495 = arith.mulf %parallel_loop3A_492, %parallel_loop3A_494 : vector<16xf32>
        %parallel_loop3A_496 = arith.addi %mul3A_242, %parallel_loop3A_263 : i32
        %parallel_loop3A_497 = arith.index_cast %parallel_loop3A_496 : i32 to index
        %parallel_loop3A_498 = arith.constant 256 : index
        %parallel_loop3A_499 = tpu.vector_load %arg6[%parallel_loop3A_497, %parallel_loop3A_498] {strides = array<i32>} : memref<112x1024xf32, #tpu.memory_space<vmem>>, vector<1x16xf32>,
        %parallel_loop3A_500 = vector.shape_cast %parallel_loop3A_499 : vector<1x16xf32> to vector<16xf32>
        %parallel_loop3A_501 = vector.shape_cast %parallel_loop3A_495 : vector<16xf32> to vector<1x16xf32>
        tpu.vector_store %arg6[%parallel_loop3A_497, %parallel_loop3A_498], %parallel_loop3A_501 {strides = array<i32>} : memref<112x1024xf32, #tpu.memory_space<vmem>>, vector<1x16xf32>,
        %parallel_loop3A_502 = arith.addi %mul3A_242, %parallel_loop3A_263 : i32
        %parallel_loop3A_503 = arith.index_cast %parallel_loop3A_502 : i32 to index
        %parallel_loop3A_504 = arith.constant 272 : index
        %parallel_loop3A_505 = tpu.vector_load %arg6[%parallel_loop3A_503, %parallel_loop3A_504] {strides = array<i32>} : memref<112x1024xf32, #tpu.memory_space<vmem>>, vector<1x16xf32>,
        %parallel_loop3A_506 = vector.shape_cast %parallel_loop3A_505 : vector<1x16xf32> to vector<16xf32>
        %parallel_loop3A_507 = arith.constant 3.200000e+01 : f32
        %parallel_loop3A_508 = vector.broadcast %parallel_loop3A_507 : f32 to vector<16xf32>
        %parallel_loop3A_509 = arith.mulf %parallel_loop3A_506, %parallel_loop3A_508 : vector<16xf32>
        %parallel_loop3A_510 = arith.addi %mul3A_242, %parallel_loop3A_263 : i32
        %parallel_loop3A_511 = arith.index_cast %parallel_loop3A_510 : i32 to index
        %parallel_loop3A_512 = arith.constant 272 : index
        %parallel_loop3A_513 = tpu.vector_load %arg6[%parallel_loop3A_511, %parallel_loop3A_512] {strides = array<i32>} : memref<112x1024xf32, #tpu.memory_space<vmem>>, vector<1x16xf32>,
        %parallel_loop3A_514 = vector.shape_cast %parallel_loop3A_513 : vector<1x16xf32> to vector<16xf32>
        %parallel_loop3A_515 = vector.shape_cast %parallel_loop3A_509 : vector<16xf32> to vector<1x16xf32>
        tpu.vector_store %arg6[%parallel_loop3A_511, %parallel_loop3A_512], %parallel_loop3A_515 {strides = array<i32>} : memref<112x1024xf32, #tpu.memory_space<vmem>>, vector<1x16xf32>,
        %parallel_loop3A_516 = arith.addi %mul3A_242, %parallel_loop3A_263 : i32
        %parallel_loop3A_517 = arith.index_cast %parallel_loop3A_516 : i32 to index
        %parallel_loop3A_518 = arith.constant 288 : index
        %parallel_loop3A_519 = tpu.vector_load %arg6[%parallel_loop3A_517, %parallel_loop3A_518] {strides = array<i32>} : memref<112x1024xf32, #tpu.memory_space<vmem>>, vector<1x16xf32>,
        %parallel_loop3A_520 = vector.shape_cast %parallel_loop3A_519 : vector<1x16xf32> to vector<16xf32>
        %parallel_loop3A_521 = arith.constant 3.200000e+01 : f32
        %parallel_loop3A_522 = vector.broadcast %parallel_loop3A_521 : f32 to vector<16xf32>
        %parallel_loop3A_523 = arith.mulf %parallel_loop3A_520, %parallel_loop3A_522 : vector<16xf32>
        %parallel_loop3A_524 = arith.addi %mul3A_242, %parallel_loop3A_263 : i32
        %parallel_loop3A_525 = arith.index_cast %parallel_loop3A_524 : i32 to index
        %parallel_loop3A_526 = arith.constant 288 : index
        %parallel_loop3A_527 = tpu.vector_load %arg6[%parallel_loop3A_525, %parallel_loop3A_526] {strides = array<i32>} : memref<112x1024xf32, #tpu.memory_space<vmem>>, vector<1x16xf32>,
        %parallel_loop3A_528 = vector.shape_cast %parallel_loop3A_527 : vector<1x16xf32> to vector<16xf32>
        %parallel_loop3A_529 = vector.shape_cast %parallel_loop3A_523 : vector<16xf32> to vector<1x16xf32>
        tpu.vector_store %arg6[%parallel_loop3A_525, %parallel_loop3A_526], %parallel_loop3A_529 {strides = array<i32>} : memref<112x1024xf32, #tpu.memory_space<vmem>>, vector<1x16xf32>,
        %parallel_loop3A_530 = arith.addi %mul3A_242, %parallel_loop3A_263 : i32
        %parallel_loop3A_531 = arith.index_cast %parallel_loop3A_530 : i32 to index
        %parallel_loop3A_532 = arith.constant 304 : index
        %parallel_loop3A_533 = tpu.vector_load %arg6[%parallel_loop3A_531, %parallel_loop3A_532] {strides = array<i32>} : memref<112x1024xf32, #tpu.memory_space<vmem>>, vector<1x16xf32>,
        %parallel_loop3A_534 = vector.shape_cast %parallel_loop3A_533 : vector<1x16xf32> to vector<16xf32>
        %parallel_loop3A_535 = arith.constant 3.200000e+01 : f32
        %parallel_loop3A_536 = vector.broadcast %parallel_loop3A_535 : f32 to vector<16xf32>
        %parallel_loop3A_537 = arith.mulf %parallel_loop3A_534, %parallel_loop3A_536 : vector<16xf32>
        %parallel_loop3A_538 = arith.addi %mul3A_242, %parallel_loop3A_263 : i32
        %parallel_loop3A_539 = arith.index_cast %parallel_loop3A_538 : i32 to index
        %parallel_loop3A_540 = arith.constant 304 : index
        %parallel_loop3A_541 = tpu.vector_load %arg6[%parallel_loop3A_539, %parallel_loop3A_540] {strides = array<i32>} : memref<112x1024xf32, #tpu.memory_space<vmem>>, vector<1x16xf32>,
        %parallel_loop3A_542 = vector.shape_cast %parallel_loop3A_541 : vector<1x16xf32> to vector<16xf32>
        %parallel_loop3A_543 = vector.shape_cast %parallel_loop3A_537 : vector<16xf32> to vector<1x16xf32>
        tpu.vector_store %arg6[%parallel_loop3A_539, %parallel_loop3A_540], %parallel_loop3A_543 {strides = array<i32>} : memref<112x1024xf32, #tpu.memory_space<vmem>>, vector<1x16xf32>,
        %parallel_loop3A_544 = arith.addi %mul3A_242, %parallel_loop3A_263 : i32
        %parallel_loop3A_545 = arith.index_cast %parallel_loop3A_544 : i32 to index
        %parallel_loop3A_546 = arith.constant 320 : index
        %parallel_loop3A_547 = tpu.vector_load %arg6[%parallel_loop3A_545, %parallel_loop3A_546] {strides = array<i32>} : memref<112x1024xf32, #tpu.memory_space<vmem>>, vector<1x16xf32>,
        %parallel_loop3A_548 = vector.shape_cast %parallel_loop3A_547 : vector<1x16xf32> to vector<16xf32>
        %parallel_loop3A_549 = arith.constant 3.200000e+01 : f32
        %parallel_loop3A_550 = vector.broadcast %parallel_loop3A_549 : f32 to vector<16xf32>
        %parallel_loop3A_551 = arith.mulf %parallel_loop3A_548, %parallel_loop3A_550 : vector<16xf32>
        %parallel_loop3A_552 = arith.addi %mul3A_242, %parallel_loop3A_263 : i32
        %parallel_loop3A_553 = arith.index_cast %parallel_loop3A_552 : i32 to index
        %parallel_loop3A_554 = arith.constant 320 : index
        %parallel_loop3A_555 = tpu.vector_load %arg6[%parallel_loop3A_553, %parallel_loop3A_554] {strides = array<i32>} : memref<112x1024xf32, #tpu.memory_space<vmem>>, vector<1x16xf32>,
        %parallel_loop3A_556 = vector.shape_cast %parallel_loop3A_555 : vector<1x16xf32> to vector<16xf32>
        %parallel_loop3A_557 = vector.shape_cast %parallel_loop3A_551 : vector<16xf32> to vector<1x16xf32>
        tpu.vector_store %arg6[%parallel_loop3A_553, %parallel_loop3A_554], %parallel_loop3A_557 {strides = array<i32>} : memref<112x1024xf32, #tpu.memory_space<vmem>>, vector<1x16xf32>,
        %parallel_loop3A_558 = arith.addi %mul3A_242, %parallel_loop3A_263 : i32
        %parallel_loop3A_559 = arith.index_cast %parallel_loop3A_558 : i32 to index
        %parallel_loop3A_560 = arith.constant 336 : index
        %parallel_loop3A_561 = tpu.vector_load %arg6[%parallel_loop3A_559, %parallel_loop3A_560] {strides = array<i32>} : memref<112x1024xf32, #tpu.memory_space<vmem>>, vector<1x16xf32>,
        %parallel_loop3A_562 = vector.shape_cast %parallel_loop3A_561 : vector<1x16xf32> to vector<16xf32>
        %parallel_loop3A_563 = arith.constant 3.200000e+01 : f32
        %parallel_loop3A_564 = vector.broadcast %parallel_loop3A_563 : f32 to vector<16xf32>
        %parallel_loop3A_565 = arith.mulf %parallel_loop3A_562, %parallel_loop3A_564 : vector<16xf32>
        %parallel_loop3A_566 = arith.addi %mul3A_242, %parallel_loop3A_263 : i32
        %parallel_loop3A_567 = arith.index_cast %parallel_loop3A_566 : i32 to index
        %parallel_loop3A_568 = arith.constant 336 : index
        %parallel_loop3A_569 = tpu.vector_load %arg6[%parallel_loop3A_567, %parallel_loop3A_568] {strides = array<i32>} : memref<112x1024xf32, #tpu.memory_space<vmem>>, vector<1x16xf32>,
        %parallel_loop3A_570 = vector.shape_cast %parallel_loop3A_569 : vector<1x16xf32> to vector<16xf32>
        %parallel_loop3A_571 = vector.shape_cast %parallel_loop3A_565 : vector<16xf32> to vector<1x16xf32>
        tpu.vector_store %arg6[%parallel_loop3A_567, %parallel_loop3A_568], %parallel_loop3A_571 {strides = array<i32>} : memref<112x1024xf32, #tpu.memory_space<vmem>>, vector<1x16xf32>,
        %parallel_loop3A_572 = arith.addi %mul3A_242, %parallel_loop3A_263 : i32
        %parallel_loop3A_573 = arith.index_cast %parallel_loop3A_572 : i32 to index
        %parallel_loop3A_574 = arith.constant 352 : index
        %parallel_loop3A_575 = tpu.vector_load %arg6[%parallel_loop3A_573, %parallel_loop3A_574] {strides = array<i32>} : memref<112x1024xf32, #tpu.memory_space<vmem>>, vector<1x16xf32>,
        %parallel_loop3A_576 = vector.shape_cast %parallel_loop3A_575 : vector<1x16xf32> to vector<16xf32>
        %parallel_loop3A_577 = arith.constant 3.200000e+01 : f32
        %parallel_loop3A_578 = vector.broadcast %parallel_loop3A_577 : f32 to vector<16xf32>
        %parallel_loop3A_579 = arith.mulf %parallel_loop3A_576, %parallel_loop3A_578 : vector<16xf32>
        %parallel_loop3A_580 = arith.addi %mul3A_242, %parallel_loop3A_263 : i32
        %parallel_loop3A_581 = arith.index_cast %parallel_loop3A_580 : i32 to index
        %parallel_loop3A_582 = arith.constant 352 : index
        %parallel_loop3A_583 = tpu.vector_load %arg6[%parallel_loop3A_581, %parallel_loop3A_582] {strides = array<i32>} : memref<112x1024xf32, #tpu.memory_space<vmem>>, vector<1x16xf32>,
        %parallel_loop3A_584 = vector.shape_cast %parallel_loop3A_583 : vector<1x16xf32> to vector<16xf32>
        %parallel_loop3A_585 = vector.shape_cast %parallel_loop3A_579 : vector<16xf32> to vector<1x16xf32>
        tpu.vector_store %arg6[%parallel_loop3A_581, %parallel_loop3A_582], %parallel_loop3A_585 {strides = array<i32>} : memref<112x1024xf32, #tpu.memory_space<vmem>>, vector<1x16xf32>,
        %parallel_loop3A_586 = arith.addi %mul3A_242, %parallel_loop3A_263 : i32
        %parallel_loop3A_587 = arith.index_cast %parallel_loop3A_586 : i32 to index
        %parallel_loop3A_588 = arith.constant 368 : index
        %parallel_loop3A_589 = tpu.vector_load %arg6[%parallel_loop3A_587, %parallel_loop3A_588] {strides = array<i32>} : memref<112x1024xf32, #tpu.memory_space<vmem>>, vector<1x16xf32>,
        %parallel_loop3A_590 = vector.shape_cast %parallel_loop3A_589 : vector<1x16xf32> to vector<16xf32>
        %parallel_loop3A_591 = arith.constant 3.200000e+01 : f32
        %parallel_loop3A_592 = vector.broadcast %parallel_loop3A_591 : f32 to vector<16xf32>
        %parallel_loop3A_593 = arith.mulf %parallel_loop3A_590, %parallel_loop3A_592 : vector<16xf32>
        %parallel_loop3A_594 = arith.addi %mul3A_242, %parallel_loop3A_263 : i32
        %parallel_loop3A_595 = arith.index_cast %parallel_loop3A_594 : i32 to index
        %parallel_loop3A_596 = arith.constant 368 : index
        %parallel_loop3A_597 = tpu.vector_load %arg6[%parallel_loop3A_595, %parallel_loop3A_596] {strides = array<i32>} : memref<112x1024xf32, #tpu.memory_space<vmem>>, vector<1x16xf32>,
        %parallel_loop3A_598 = vector.shape_cast %parallel_loop3A_597 : vector<1x16xf32> to vector<16xf32>
        %parallel_loop3A_599 = vector.shape_cast %parallel_loop3A_593 : vector<16xf32> to vector<1x16xf32>
        tpu.vector_store %arg6[%parallel_loop3A_595, %parallel_loop3A_596], %parallel_loop3A_599 {strides = array<i32>} : memref<112x1024xf32, #tpu.memory_space<vmem>>, vector<1x16xf32>,
        %parallel_loop3A_600 = arith.addi %mul3A_242, %parallel_loop3A_263 : i32
        %parallel_loop3A_601 = arith.index_cast %parallel_loop3A_600 : i32 to index
        %parallel_loop3A_602 = arith.constant 384 : index
        %parallel_loop3A_603 = tpu.vector_load %arg6[%parallel_loop3A_601, %parallel_loop3A_602] {strides = array<i32>} : memref<112x1024xf32, #tpu.memory_space<vmem>>, vector<1x16xf32>,
        %parallel_loop3A_604 = vector.shape_cast %parallel_loop3A_603 : vector<1x16xf32> to vector<16xf32>
        %parallel_loop3A_605 = arith.constant 3.200000e+01 : f32
        %parallel_loop3A_606 = vector.broadcast %parallel_loop3A_605 : f32 to vector<16xf32>
        %parallel_loop3A_607 = arith.mulf %parallel_loop3A_604, %parallel_loop3A_606 : vector<16xf32>
        %parallel_loop3A_608 = arith.addi %mul3A_242, %parallel_loop3A_263 : i32
        %parallel_loop3A_609 = arith.index_cast %parallel_loop3A_608 : i32 to index
        %parallel_loop3A_610 = arith.constant 384 : index
        %parallel_loop3A_611 = tpu.vector_load %arg6[%parallel_loop3A_609, %parallel_loop3A_610] {strides = array<i32>} : memref<112x1024xf32, #tpu.memory_space<vmem>>, vector<1x16xf32>,
        %parallel_loop3A_612 = vector.shape_cast %parallel_loop3A_611 : vector<1x16xf32> to vector<16xf32>
        %parallel_loop3A_613 = vector.shape_cast %parallel_loop3A_607 : vector<16xf32> to vector<1x16xf32>
        tpu.vector_store %arg6[%parallel_loop3A_609, %parallel_loop3A_610], %parallel_loop3A_613 {strides = array<i32>} : memref<112x1024xf32, #tpu.memory_space<vmem>>, vector<1x16xf32>,
        %parallel_loop3A_614 = arith.addi %mul3A_242, %parallel_loop3A_263 : i32
        %parallel_loop3A_615 = arith.index_cast %parallel_loop3A_614 : i32 to index
        %parallel_loop3A_616 = arith.constant 400 : index
        %parallel_loop3A_617 = tpu.vector_load %arg6[%parallel_loop3A_615, %parallel_loop3A_616] {strides = array<i32>} : memref<112x1024xf32, #tpu.memory_space<vmem>>, vector<1x16xf32>,
        %parallel_loop3A_618 = vector.shape_cast %parallel_loop3A_617 : vector<1x16xf32> to vector<16xf32>
        %parallel_loop3A_619 = arith.constant 3.200000e+01 : f32
        %parallel_loop3A_620 = vector.broadcast %parallel_loop3A_619 : f32 to vector<16xf32>
        %parallel_loop3A_621 = arith.mulf %parallel_loop3A_618, %parallel_loop3A_620 : vector<16xf32>
        %parallel_loop3A_622 = arith.addi %mul3A_242, %parallel_loop3A_263 : i32
        %parallel_loop3A_623 = arith.index_cast %parallel_loop3A_622 : i32 to index
        %parallel_loop3A_624 = arith.constant 400 : index
        %parallel_loop3A_625 = tpu.vector_load %arg6[%parallel_loop3A_623, %parallel_loop3A_624] {strides = array<i32>} : memref<112x1024xf32, #tpu.memory_space<vmem>>, vector<1x16xf32>,
        %parallel_loop3A_626 = vector.shape_cast %parallel_loop3A_625 : vector<1x16xf32> to vector<16xf32>
        %parallel_loop3A_627 = vector.shape_cast %parallel_loop3A_621 : vector<16xf32> to vector<1x16xf32>
        tpu.vector_store %arg6[%parallel_loop3A_623, %parallel_loop3A_624], %parallel_loop3A_627 {strides = array<i32>} : memref<112x1024xf32, #tpu.memory_space<vmem>>, vector<1x16xf32>,
        %parallel_loop3A_628 = arith.addi %mul3A_242, %parallel_loop3A_263 : i32
        %parallel_loop3A_629 = arith.index_cast %parallel_loop3A_628 : i32 to index
        %parallel_loop3A_630 = arith.constant 416 : index
        %parallel_loop3A_631 = tpu.vector_load %arg6[%parallel_loop3A_629, %parallel_loop3A_630] {strides = array<i32>} : memref<112x1024xf32, #tpu.memory_space<vmem>>, vector<1x16xf32>,
        %parallel_loop3A_632 = vector.shape_cast %parallel_loop3A_631 : vector<1x16xf32> to vector<16xf32>
        %parallel_loop3A_633 = arith.constant 3.200000e+01 : f32
        %parallel_loop3A_634 = vector.broadcast %parallel_loop3A_633 : f32 to vector<16xf32>
        %parallel_loop3A_635 = arith.mulf %parallel_loop3A_632, %parallel_loop3A_634 : vector<16xf32>
        %parallel_loop3A_636 = arith.addi %mul3A_242, %parallel_loop3A_263 : i32
        %parallel_loop3A_637 = arith.index_cast %parallel_loop3A_636 : i32 to index
        %parallel_loop3A_638 = arith.constant 416 : index
        %parallel_loop3A_639 = tpu.vector_load %arg6[%parallel_loop3A_637, %parallel_loop3A_638] {strides = array<i32>} : memref<112x1024xf32, #tpu.memory_space<vmem>>, vector<1x16xf32>,
        %parallel_loop3A_640 = vector.shape_cast %parallel_loop3A_639 : vector<1x16xf32> to vector<16xf32>
        %parallel_loop3A_641 = vector.shape_cast %parallel_loop3A_635 : vector<16xf32> to vector<1x16xf32>
        tpu.vector_store %arg6[%parallel_loop3A_637, %parallel_loop3A_638], %parallel_loop3A_641 {strides = array<i32>} : memref<112x1024xf32, #tpu.memory_space<vmem>>, vector<1x16xf32>,
        %parallel_loop3A_642 = arith.addi %mul3A_242, %parallel_loop3A_263 : i32
        %parallel_loop3A_643 = arith.index_cast %parallel_loop3A_642 : i32 to index
        %parallel_loop3A_644 = arith.constant 432 : index
        %parallel_loop3A_645 = tpu.vector_load %arg6[%parallel_loop3A_643, %parallel_loop3A_644] {strides = array<i32>} : memref<112x1024xf32, #tpu.memory_space<vmem>>, vector<1x16xf32>,
        %parallel_loop3A_646 = vector.shape_cast %parallel_loop3A_645 : vector<1x16xf32> to vector<16xf32>
        %parallel_loop3A_647 = arith.constant 3.200000e+01 : f32
        %parallel_loop3A_648 = vector.broadcast %parallel_loop3A_647 : f32 to vector<16xf32>
        %parallel_loop3A_649 = arith.mulf %parallel_loop3A_646, %parallel_loop3A_648 : vector<16xf32>
        %parallel_loop3A_650 = arith.addi %mul3A_242, %parallel_loop3A_263 : i32
        %parallel_loop3A_651 = arith.index_cast %parallel_loop3A_650 : i32 to index
        %parallel_loop3A_652 = arith.constant 432 : index
        %parallel_loop3A_653 = tpu.vector_load %arg6[%parallel_loop3A_651, %parallel_loop3A_652] {strides = array<i32>} : memref<112x1024xf32, #tpu.memory_space<vmem>>, vector<1x16xf32>,
        %parallel_loop3A_654 = vector.shape_cast %parallel_loop3A_653 : vector<1x16xf32> to vector<16xf32>
        %parallel_loop3A_655 = vector.shape_cast %parallel_loop3A_649 : vector<16xf32> to vector<1x16xf32>
        tpu.vector_store %arg6[%parallel_loop3A_651, %parallel_loop3A_652], %parallel_loop3A_655 {strides = array<i32>} : memref<112x1024xf32, #tpu.memory_space<vmem>>, vector<1x16xf32>,
        %parallel_loop3A_656 = arith.addi %mul3A_242, %parallel_loop3A_263 : i32
        %parallel_loop3A_657 = arith.index_cast %parallel_loop3A_656 : i32 to index
        %parallel_loop3A_658 = arith.constant 448 : index
        %parallel_loop3A_659 = tpu.vector_load %arg6[%parallel_loop3A_657, %parallel_loop3A_658] {strides = array<i32>} : memref<112x1024xf32, #tpu.memory_space<vmem>>, vector<1x16xf32>,
        %parallel_loop3A_660 = vector.shape_cast %parallel_loop3A_659 : vector<1x16xf32> to vector<16xf32>
        %parallel_loop3A_661 = arith.constant 3.200000e+01 : f32
        %parallel_loop3A_662 = vector.broadcast %parallel_loop3A_661 : f32 to vector<16xf32>
        %parallel_loop3A_663 = arith.mulf %parallel_loop3A_660, %parallel_loop3A_662 : vector<16xf32>
        %parallel_loop3A_664 = arith.addi %mul3A_242, %parallel_loop3A_263 : i32
        %parallel_loop3A_665 = arith.index_cast %parallel_loop3A_664 : i32 to index
        %parallel_loop3A_666 = arith.constant 448 : index
        %parallel_loop3A_667 = tpu.vector_load %arg6[%parallel_loop3A_665, %parallel_loop3A_666] {strides = array<i32>} : memref<112x1024xf32, #tpu.memory_space<vmem>>, vector<1x16xf32>,
        %parallel_loop3A_668 = vector.shape_cast %parallel_loop3A_667 : vector<1x16xf32> to vector<16xf32>
        %parallel_loop3A_669 = vector.shape_cast %parallel_loop3A_663 : vector<16xf32> to vector<1x16xf32>
        tpu.vector_store %arg6[%parallel_loop3A_665, %parallel_loop3A_666], %parallel_loop3A_669 {strides = array<i32>} : memref<112x1024xf32, #tpu.memory_space<vmem>>, vector<1x16xf32>,
        %parallel_loop3A_670 = arith.addi %mul3A_242, %parallel_loop3A_263 : i32
        %parallel_loop3A_671 = arith.index_cast %parallel_loop3A_670 : i32 to index
        %parallel_loop3A_672 = arith.constant 464 : index
        %parallel_loop3A_673 = tpu.vector_load %arg6[%parallel_loop3A_671, %parallel_loop3A_672] {strides = array<i32>} : memref<112x1024xf32, #tpu.memory_space<vmem>>, vector<1x16xf32>,
        %parallel_loop3A_674 = vector.shape_cast %parallel_loop3A_673 : vector<1x16xf32> to vector<16xf32>
        %parallel_loop3A_675 = arith.constant 3.200000e+01 : f32
        %parallel_loop3A_676 = vector.broadcast %parallel_loop3A_675 : f32 to vector<16xf32>
        %parallel_loop3A_677 = arith.mulf %parallel_loop3A_674, %parallel_loop3A_676 : vector<16xf32>
        %parallel_loop3A_678 = arith.addi %mul3A_242, %parallel_loop3A_263 : i32
        %parallel_loop3A_679 = arith.index_cast %parallel_loop3A_678 : i32 to index
        %parallel_loop3A_680 = arith.constant 464 : index
        %parallel_loop3A_681 = tpu.vector_load %arg6[%parallel_loop3A_679, %parallel_loop3A_680] {strides = array<i32>} : memref<112x1024xf32, #tpu.memory_space<vmem>>, vector<1x16xf32>,
        %parallel_loop3A_682 = vector.shape_cast %parallel_loop3A_681 : vector<1x16xf32> to vector<16xf32>
        %parallel_loop3A_683 = vector.shape_cast %parallel_loop3A_677 : vector<16xf32> to vector<1x16xf32>
        tpu.vector_store %arg6[%parallel_loop3A_679, %parallel_loop3A_680], %parallel_loop3A_683 {strides = array<i32>} : memref<112x1024xf32, #tpu.memory_space<vmem>>, vector<1x16xf32>,
        %parallel_loop3A_684 = arith.addi %mul3A_242, %parallel_loop3A_263 : i32
        %parallel_loop3A_685 = arith.index_cast %parallel_loop3A_684 : i32 to index
        %parallel_loop3A_686 = arith.constant 480 : index
        %parallel_loop3A_687 = tpu.vector_load %arg6[%parallel_loop3A_685, %parallel_loop3A_686] {strides = array<i32>} : memref<112x1024xf32, #tpu.memory_space<vmem>>, vector<1x16xf32>,
        %parallel_loop3A_688 = vector.shape_cast %parallel_loop3A_687 : vector<1x16xf32> to vector<16xf32>
        %parallel_loop3A_689 = arith.constant 3.200000e+01 : f32
        %parallel_loop3A_690 = vector.broadcast %parallel_loop3A_689 : f32 to vector<16xf32>
        %parallel_loop3A_691 = arith.mulf %parallel_loop3A_688, %parallel_loop3A_690 : vector<16xf32>
        %parallel_loop3A_692 = arith.addi %mul3A_242, %parallel_loop3A_263 : i32
        %parallel_loop3A_693 = arith.index_cast %parallel_loop3A_692 : i32 to index
        %parallel_loop3A_694 = arith.constant 480 : index
        %parallel_loop3A_695 = tpu.vector_load %arg6[%parallel_loop3A_693, %parallel_loop3A_694] {strides = array<i32>} : memref<112x1024xf32, #tpu.memory_space<vmem>>, vector<1x16xf32>,
        %parallel_loop3A_696 = vector.shape_cast %parallel_loop3A_695 : vector<1x16xf32> to vector<16xf32>
        %parallel_loop3A_697 = vector.shape_cast %parallel_loop3A_691 : vector<16xf32> to vector<1x16xf32>
        tpu.vector_store %arg6[%parallel_loop3A_693, %parallel_loop3A_694], %parallel_loop3A_697 {strides = array<i32>} : memref<112x1024xf32, #tpu.memory_space<vmem>>, vector<1x16xf32>,
        %parallel_loop3A_698 = arith.addi %mul3A_242, %parallel_loop3A_263 : i32
        %parallel_loop3A_699 = arith.index_cast %parallel_loop3A_698 : i32 to index
        %parallel_loop3A_700 = arith.constant 496 : index
        %parallel_loop3A_701 = tpu.vector_load %arg6[%parallel_loop3A_699, %parallel_loop3A_700] {strides = array<i32>} : memref<112x1024xf32, #tpu.memory_space<vmem>>, vector<1x16xf32>,
        %parallel_loop3A_702 = vector.shape_cast %parallel_loop3A_701 : vector<1x16xf32> to vector<16xf32>
        %parallel_loop3A_703 = arith.constant 3.200000e+01 : f32
        %parallel_loop3A_704 = vector.broadcast %parallel_loop3A_703 : f32 to vector<16xf32>
        %parallel_loop3A_705 = arith.mulf %parallel_loop3A_702, %parallel_loop3A_704 : vector<16xf32>
        %parallel_loop3A_706 = arith.addi %mul3A_242, %parallel_loop3A_263 : i32
        %parallel_loop3A_707 = arith.index_cast %parallel_loop3A_706 : i32 to index
        %parallel_loop3A_708 = arith.constant 496 : index
        %parallel_loop3A_709 = tpu.vector_load %arg6[%parallel_loop3A_707, %parallel_loop3A_708] {strides = array<i32>} : memref<112x1024xf32, #tpu.memory_space<vmem>>, vector<1x16xf32>,
        %parallel_loop3A_710 = vector.shape_cast %parallel_loop3A_709 : vector<1x16xf32> to vector<16xf32>
        %parallel_loop3A_711 = vector.shape_cast %parallel_loop3A_705 : vector<16xf32> to vector<1x16xf32>
        tpu.vector_store %arg6[%parallel_loop3A_707, %parallel_loop3A_708], %parallel_loop3A_711 {strides = array<i32>} : memref<112x1024xf32, #tpu.memory_space<vmem>>, vector<1x16xf32>,
        %parallel_loop3A_712 = arith.addi %mul3A_242, %parallel_loop3A_263 : i32
        %parallel_loop3A_713 = arith.index_cast %parallel_loop3A_712 : i32 to index
        %parallel_loop3A_714 = arith.constant 512 : index
        %parallel_loop3A_715 = tpu.vector_load %arg6[%parallel_loop3A_713, %parallel_loop3A_714] {strides = array<i32>} : memref<112x1024xf32, #tpu.memory_space<vmem>>, vector<1x16xf32>,
        %parallel_loop3A_716 = vector.shape_cast %parallel_loop3A_715 : vector<1x16xf32> to vector<16xf32>
        %parallel_loop3A_717 = arith.constant 3.200000e+01 : f32
        %parallel_loop3A_718 = vector.broadcast %parallel_loop3A_717 : f32 to vector<16xf32>
        %parallel_loop3A_719 = arith.mulf %parallel_loop3A_716, %parallel_loop3A_718 : vector<16xf32>
        %parallel_loop3A_720 = arith.addi %mul3A_242, %parallel_loop3A_263 : i32
        %parallel_loop3A_721 = arith.index_cast %parallel_loop3A_720 : i32 to index
        %parallel_loop3A_722 = arith.constant 512 : index
        %parallel_loop3A_723 = tpu.vector_load %arg6[%parallel_loop3A_721, %parallel_loop3A_722] {strides = array<i32>} : memref<112x1024xf32, #tpu.memory_space<vmem>>, vector<1x16xf32>,
        %parallel_loop3A_724 = vector.shape_cast %parallel_loop3A_723 : vector<1x16xf32> to vector<16xf32>
        %parallel_loop3A_725 = vector.shape_cast %parallel_loop3A_719 : vector<16xf32> to vector<1x16xf32>
        tpu.vector_store %arg6[%parallel_loop3A_721, %parallel_loop3A_722], %parallel_loop3A_725 {strides = array<i32>} : memref<112x1024xf32, #tpu.memory_space<vmem>>, vector<1x16xf32>,
        %parallel_loop3A_726 = arith.addi %mul3A_242, %parallel_loop3A_263 : i32
        %parallel_loop3A_727 = arith.index_cast %parallel_loop3A_726 : i32 to index
        %parallel_loop3A_728 = arith.constant 528 : index
        %parallel_loop3A_729 = tpu.vector_load %arg6[%parallel_loop3A_727, %parallel_loop3A_728] {strides = array<i32>} : memref<112x1024xf32, #tpu.memory_space<vmem>>, vector<1x16xf32>,
        %parallel_loop3A_730 = vector.shape_cast %parallel_loop3A_729 : vector<1x16xf32> to vector<16xf32>
        %parallel_loop3A_731 = arith.constant 3.200000e+01 : f32
        %parallel_loop3A_732 = vector.broadcast %parallel_loop3A_731 : f32 to vector<16xf32>
        %parallel_loop3A_733 = arith.mulf %parallel_loop3A_730, %parallel_loop3A_732 : vector<16xf32>
        %parallel_loop3A_734 = arith.addi %mul3A_242, %parallel_loop3A_263 : i32
        %parallel_loop3A_735 = arith.index_cast %parallel_loop3A_734 : i32 to index
        %parallel_loop3A_736 = arith.constant 528 : index
        %parallel_loop3A_737 = tpu.vector_load %arg6[%parallel_loop3A_735, %parallel_loop3A_736] {strides = array<i32>} : memref<112x1024xf32, #tpu.memory_space<vmem>>, vector<1x16xf32>,
        %parallel_loop3A_738 = vector.shape_cast %parallel_loop3A_737 : vector<1x16xf32> to vector<16xf32>
        %parallel_loop3A_739 = vector.shape_cast %parallel_loop3A_733 : vector<16xf32> to vector<1x16xf32>
        tpu.vector_store %arg6[%parallel_loop3A_735, %parallel_loop3A_736], %parallel_loop3A_739 {strides = array<i32>} : memref<112x1024xf32, #tpu.memory_space<vmem>>, vector<1x16xf32>,
        %parallel_loop3A_740 = arith.addi %mul3A_242, %parallel_loop3A_263 : i32
        %parallel_loop3A_741 = arith.index_cast %parallel_loop3A_740 : i32 to index
        %parallel_loop3A_742 = arith.constant 544 : index
        %parallel_loop3A_743 = tpu.vector_load %arg6[%parallel_loop3A_741, %parallel_loop3A_742] {strides = array<i32>} : memref<112x1024xf32, #tpu.memory_space<vmem>>, vector<1x16xf32>,
        %parallel_loop3A_744 = vector.shape_cast %parallel_loop3A_743 : vector<1x16xf32> to vector<16xf32>
        %parallel_loop3A_745 = arith.constant 3.200000e+01 : f32
        %parallel_loop3A_746 = vector.broadcast %parallel_loop3A_745 : f32 to vector<16xf32>
        %parallel_loop3A_747 = arith.mulf %parallel_loop3A_744, %parallel_loop3A_746 : vector<16xf32>
        %parallel_loop3A_748 = arith.addi %mul3A_242, %parallel_loop3A_263 : i32
        %parallel_loop3A_749 = arith.index_cast %parallel_loop3A_748 : i32 to index
        %parallel_loop3A_750 = arith.constant 544 : index
        %parallel_loop3A_751 = tpu.vector_load %arg6[%parallel_loop3A_749, %parallel_loop3A_750] {strides = array<i32>} : memref<112x1024xf32, #tpu.memory_space<vmem>>, vector<1x16xf32>,
        %parallel_loop3A_752 = vector.shape_cast %parallel_loop3A_751 : vector<1x16xf32> to vector<16xf32>
        %parallel_loop3A_753 = vector.shape_cast %parallel_loop3A_747 : vector<16xf32> to vector<1x16xf32>
        tpu.vector_store %arg6[%parallel_loop3A_749, %parallel_loop3A_750], %parallel_loop3A_753 {strides = array<i32>} : memref<112x1024xf32, #tpu.memory_space<vmem>>, vector<1x16xf32>,
        %parallel_loop3A_754 = arith.addi %mul3A_242, %parallel_loop3A_263 : i32
        %parallel_loop3A_755 = arith.index_cast %parallel_loop3A_754 : i32 to index
        %parallel_loop3A_756 = arith.constant 560 : index
        %parallel_loop3A_757 = tpu.vector_load %arg6[%parallel_loop3A_755, %parallel_loop3A_756] {strides = array<i32>} : memref<112x1024xf32, #tpu.memory_space<vmem>>, vector<1x16xf32>,
        %parallel_loop3A_758 = vector.shape_cast %parallel_loop3A_757 : vector<1x16xf32> to vector<16xf32>
        %parallel_loop3A_759 = arith.constant 3.200000e+01 : f32
        %parallel_loop3A_760 = vector.broadcast %parallel_loop3A_759 : f32 to vector<16xf32>
        %parallel_loop3A_761 = arith.mulf %parallel_loop3A_758, %parallel_loop3A_760 : vector<16xf32>
        %parallel_loop3A_762 = arith.addi %mul3A_242, %parallel_loop3A_263 : i32
        %parallel_loop3A_763 = arith.index_cast %parallel_loop3A_762 : i32 to index
        %parallel_loop3A_764 = arith.constant 560 : index
        %parallel_loop3A_765 = tpu.vector_load %arg6[%parallel_loop3A_763, %parallel_loop3A_764] {strides = array<i32>} : memref<112x1024xf32, #tpu.memory_space<vmem>>, vector<1x16xf32>,
        %parallel_loop3A_766 = vector.shape_cast %parallel_loop3A_765 : vector<1x16xf32> to vector<16xf32>
        %parallel_loop3A_767 = vector.shape_cast %parallel_loop3A_761 : vector<16xf32> to vector<1x16xf32>
        tpu.vector_store %arg6[%parallel_loop3A_763, %parallel_loop3A_764], %parallel_loop3A_767 {strides = array<i32>} : memref<112x1024xf32, #tpu.memory_space<vmem>>, vector<1x16xf32>,
        %parallel_loop3A_768 = arith.addi %mul3A_242, %parallel_loop3A_263 : i32
        %parallel_loop3A_769 = arith.index_cast %parallel_loop3A_768 : i32 to index
        %parallel_loop3A_770 = arith.constant 576 : index
        %parallel_loop3A_771 = tpu.vector_load %arg6[%parallel_loop3A_769, %parallel_loop3A_770] {strides = array<i32>} : memref<112x1024xf32, #tpu.memory_space<vmem>>, vector<1x16xf32>,
        %parallel_loop3A_772 = vector.shape_cast %parallel_loop3A_771 : vector<1x16xf32> to vector<16xf32>
        %parallel_loop3A_773 = arith.constant 3.200000e+01 : f32
        %parallel_loop3A_774 = vector.broadcast %parallel_loop3A_773 : f32 to vector<16xf32>
        %parallel_loop3A_775 = arith.mulf %parallel_loop3A_772, %parallel_loop3A_774 : vector<16xf32>
        %parallel_loop3A_776 = arith.addi %mul3A_242, %parallel_loop3A_263 : i32
        %parallel_loop3A_777 = arith.index_cast %parallel_loop3A_776 : i32 to index
        %parallel_loop3A_778 = arith.constant 576 : index
        %parallel_loop3A_779 = tpu.vector_load %arg6[%parallel_loop3A_777, %parallel_loop3A_778] {strides = array<i32>} : memref<112x1024xf32, #tpu.memory_space<vmem>>, vector<1x16xf32>,
        %parallel_loop3A_780 = vector.shape_cast %parallel_loop3A_779 : vector<1x16xf32> to vector<16xf32>
        %parallel_loop3A_781 = vector.shape_cast %parallel_loop3A_775 : vector<16xf32> to vector<1x16xf32>
        tpu.vector_store %arg6[%parallel_loop3A_777, %parallel_loop3A_778], %parallel_loop3A_781 {strides = array<i32>} : memref<112x1024xf32, #tpu.memory_space<vmem>>, vector<1x16xf32>,
        %parallel_loop3A_782 = arith.addi %mul3A_242, %parallel_loop3A_263 : i32
        %parallel_loop3A_783 = arith.index_cast %parallel_loop3A_782 : i32 to index
        %parallel_loop3A_784 = arith.constant 592 : index
        %parallel_loop3A_785 = tpu.vector_load %arg6[%parallel_loop3A_783, %parallel_loop3A_784] {strides = array<i32>} : memref<112x1024xf32, #tpu.memory_space<vmem>>, vector<1x16xf32>,
        %parallel_loop3A_786 = vector.shape_cast %parallel_loop3A_785 : vector<1x16xf32> to vector<16xf32>
        %parallel_loop3A_787 = arith.constant 3.200000e+01 : f32
        %parallel_loop3A_788 = vector.broadcast %parallel_loop3A_787 : f32 to vector<16xf32>
        %parallel_loop3A_789 = arith.mulf %parallel_loop3A_786, %parallel_loop3A_788 : vector<16xf32>
        %parallel_loop3A_790 = arith.addi %mul3A_242, %parallel_loop3A_263 : i32
        %parallel_loop3A_791 = arith.index_cast %parallel_loop3A_790 : i32 to index
        %parallel_loop3A_792 = arith.constant 592 : index
        %parallel_loop3A_793 = tpu.vector_load %arg6[%parallel_loop3A_791, %parallel_loop3A_792] {strides = array<i32>} : memref<112x1024xf32, #tpu.memory_space<vmem>>, vector<1x16xf32>,
        %parallel_loop3A_794 = vector.shape_cast %parallel_loop3A_793 : vector<1x16xf32> to vector<16xf32>
        %parallel_loop3A_795 = vector.shape_cast %parallel_loop3A_789 : vector<16xf32> to vector<1x16xf32>
        tpu.vector_store %arg6[%parallel_loop3A_791, %parallel_loop3A_792], %parallel_loop3A_795 {strides = array<i32>} : memref<112x1024xf32, #tpu.memory_space<vmem>>, vector<1x16xf32>,
        %parallel_loop3A_796 = arith.addi %mul3A_242, %parallel_loop3A_263 : i32
        %parallel_loop3A_797 = arith.index_cast %parallel_loop3A_796 : i32 to index
        %parallel_loop3A_798 = arith.constant 608 : index
        %parallel_loop3A_799 = tpu.vector_load %arg6[%parallel_loop3A_797, %parallel_loop3A_798] {strides = array<i32>} : memref<112x1024xf32, #tpu.memory_space<vmem>>, vector<1x16xf32>,
        %parallel_loop3A_800 = vector.shape_cast %parallel_loop3A_799 : vector<1x16xf32> to vector<16xf32>
        %parallel_loop3A_801 = arith.constant 3.200000e+01 : f32
        %parallel_loop3A_802 = vector.broadcast %parallel_loop3A_801 : f32 to vector<16xf32>
        %parallel_loop3A_803 = arith.mulf %parallel_loop3A_800, %parallel_loop3A_802 : vector<16xf32>
        %parallel_loop3A_804 = arith.addi %mul3A_242, %parallel_loop3A_263 : i32
        %parallel_loop3A_805 = arith.index_cast %parallel_loop3A_804 : i32 to index
        %parallel_loop3A_806 = arith.constant 608 : index
        %parallel_loop3A_807 = tpu.vector_load %arg6[%parallel_loop3A_805, %parallel_loop3A_806] {strides = array<i32>} : memref<112x1024xf32, #tpu.memory_space<vmem>>, vector<1x16xf32>,
        %parallel_loop3A_808 = vector.shape_cast %parallel_loop3A_807 : vector<1x16xf32> to vector<16xf32>
        %parallel_loop3A_809 = vector.shape_cast %parallel_loop3A_803 : vector<16xf32> to vector<1x16xf32>
        tpu.vector_store %arg6[%parallel_loop3A_805, %parallel_loop3A_806], %parallel_loop3A_809 {strides = array<i32>} : memref<112x1024xf32, #tpu.memory_space<vmem>>, vector<1x16xf32>,
        %parallel_loop3A_810 = arith.addi %mul3A_242, %parallel_loop3A_263 : i32
        %parallel_loop3A_811 = arith.index_cast %parallel_loop3A_810 : i32 to index
        %parallel_loop3A_812 = arith.constant 624 : index
        %parallel_loop3A_813 = tpu.vector_load %arg6[%parallel_loop3A_811, %parallel_loop3A_812] {strides = array<i32>} : memref<112x1024xf32, #tpu.memory_space<vmem>>, vector<1x16xf32>,
        %parallel_loop3A_814 = vector.shape_cast %parallel_loop3A_813 : vector<1x16xf32> to vector<16xf32>
        %parallel_loop3A_815 = arith.constant 3.200000e+01 : f32
        %parallel_loop3A_816 = vector.broadcast %parallel_loop3A_815 : f32 to vector<16xf32>
        %parallel_loop3A_817 = arith.mulf %parallel_loop3A_814, %parallel_loop3A_816 : vector<16xf32>
        %parallel_loop3A_818 = arith.addi %mul3A_242, %parallel_loop3A_263 : i32
        %parallel_loop3A_819 = arith.index_cast %parallel_loop3A_818 : i32 to index
        %parallel_loop3A_820 = arith.constant 624 : index
        %parallel_loop3A_821 = tpu.vector_load %arg6[%parallel_loop3A_819, %parallel_loop3A_820] {strides = array<i32>} : memref<112x1024xf32, #tpu.memory_space<vmem>>, vector<1x16xf32>,
        %parallel_loop3A_822 = vector.shape_cast %parallel_loop3A_821 : vector<1x16xf32> to vector<16xf32>
        %parallel_loop3A_823 = vector.shape_cast %parallel_loop3A_817 : vector<16xf32> to vector<1x16xf32>
        tpu.vector_store %arg6[%parallel_loop3A_819, %parallel_loop3A_820], %parallel_loop3A_823 {strides = array<i32>} : memref<112x1024xf32, #tpu.memory_space<vmem>>, vector<1x16xf32>,
        %parallel_loop3A_824 = arith.addi %mul3A_242, %parallel_loop3A_263 : i32
        %parallel_loop3A_825 = arith.index_cast %parallel_loop3A_824 : i32 to index
        %parallel_loop3A_826 = arith.constant 640 : index
        %parallel_loop3A_827 = tpu.vector_load %arg6[%parallel_loop3A_825, %parallel_loop3A_826] {strides = array<i32>} : memref<112x1024xf32, #tpu.memory_space<vmem>>, vector<1x16xf32>,
        %parallel_loop3A_828 = vector.shape_cast %parallel_loop3A_827 : vector<1x16xf32> to vector<16xf32>
        %parallel_loop3A_829 = arith.constant 3.200000e+01 : f32
        %parallel_loop3A_830 = vector.broadcast %parallel_loop3A_829 : f32 to vector<16xf32>
        %parallel_loop3A_831 = arith.mulf %parallel_loop3A_828, %parallel_loop3A_830 : vector<16xf32>
        %parallel_loop3A_832 = arith.addi %mul3A_242, %parallel_loop3A_263 : i32
        %parallel_loop3A_833 = arith.index_cast %parallel_loop3A_832 : i32 to index
        %parallel_loop3A_834 = arith.constant 640 : index
        %parallel_loop3A_835 = tpu.vector_load %arg6[%parallel_loop3A_833, %parallel_loop3A_834] {strides = array<i32>} : memref<112x1024xf32, #tpu.memory_space<vmem>>, vector<1x16xf32>,
        %parallel_loop3A_836 = vector.shape_cast %parallel_loop3A_835 : vector<1x16xf32> to vector<16xf32>
        %parallel_loop3A_837 = vector.shape_cast %parallel_loop3A_831 : vector<16xf32> to vector<1x16xf32>
        tpu.vector_store %arg6[%parallel_loop3A_833, %parallel_loop3A_834], %parallel_loop3A_837 {strides = array<i32>} : memref<112x1024xf32, #tpu.memory_space<vmem>>, vector<1x16xf32>,
        %parallel_loop3A_838 = arith.addi %mul3A_242, %parallel_loop3A_263 : i32
        %parallel_loop3A_839 = arith.index_cast %parallel_loop3A_838 : i32 to index
        %parallel_loop3A_840 = arith.constant 656 : index
        %parallel_loop3A_841 = tpu.vector_load %arg6[%parallel_loop3A_839, %parallel_loop3A_840] {strides = array<i32>} : memref<112x1024xf32, #tpu.memory_space<vmem>>, vector<1x16xf32>,
        %parallel_loop3A_842 = vector.shape_cast %parallel_loop3A_841 : vector<1x16xf32> to vector<16xf32>
        %parallel_loop3A_843 = arith.constant 3.200000e+01 : f32
        %parallel_loop3A_844 = vector.broadcast %parallel_loop3A_843 : f32 to vector<16xf32>
        %parallel_loop3A_845 = arith.mulf %parallel_loop3A_842, %parallel_loop3A_844 : vector<16xf32>
        %parallel_loop3A_846 = arith.addi %mul3A_242, %parallel_loop3A_263 : i32
        %parallel_loop3A_847 = arith.index_cast %parallel_loop3A_846 : i32 to index
        %parallel_loop3A_848 = arith.constant 656 : index
        %parallel_loop3A_849 = tpu.vector_load %arg6[%parallel_loop3A_847, %parallel_loop3A_848] {strides = array<i32>} : memref<112x1024xf32, #tpu.memory_space<vmem>>, vector<1x16xf32>,
        %parallel_loop3A_850 = vector.shape_cast %parallel_loop3A_849 : vector<1x16xf32> to vector<16xf32>
        %parallel_loop3A_851 = vector.shape_cast %parallel_loop3A_845 : vector<16xf32> to vector<1x16xf32>
        tpu.vector_store %arg6[%parallel_loop3A_847, %parallel_loop3A_848], %parallel_loop3A_851 {strides = array<i32>} : memref<112x1024xf32, #tpu.memory_space<vmem>>, vector<1x16xf32>,
        %parallel_loop3A_852 = arith.addi %mul3A_242, %parallel_loop3A_263 : i32
        %parallel_loop3A_853 = arith.index_cast %parallel_loop3A_852 : i32 to index
        %parallel_loop3A_854 = arith.constant 672 : index
        %parallel_loop3A_855 = tpu.vector_load %arg6[%parallel_loop3A_853, %parallel_loop3A_854] {strides = array<i32>} : memref<112x1024xf32, #tpu.memory_space<vmem>>, vector<1x16xf32>,
        %parallel_loop3A_856 = vector.shape_cast %parallel_loop3A_855 : vector<1x16xf32> to vector<16xf32>
        %parallel_loop3A_857 = arith.constant 3.200000e+01 : f32
        %parallel_loop3A_858 = vector.broadcast %parallel_loop3A_857 : f32 to vector<16xf32>
        %parallel_loop3A_859 = arith.mulf %parallel_loop3A_856, %parallel_loop3A_858 : vector<16xf32>
        %parallel_loop3A_860 = arith.addi %mul3A_242, %parallel_loop3A_263 : i32
        %parallel_loop3A_861 = arith.index_cast %parallel_loop3A_860 : i32 to index
        %parallel_loop3A_862 = arith.constant 672 : index
        %parallel_loop3A_863 = tpu.vector_load %arg6[%parallel_loop3A_861, %parallel_loop3A_862] {strides = array<i32>} : memref<112x1024xf32, #tpu.memory_space<vmem>>, vector<1x16xf32>,
        %parallel_loop3A_864 = vector.shape_cast %parallel_loop3A_863 : vector<1x16xf32> to vector<16xf32>
        %parallel_loop3A_865 = vector.shape_cast %parallel_loop3A_859 : vector<16xf32> to vector<1x16xf32>
        tpu.vector_store %arg6[%parallel_loop3A_861, %parallel_loop3A_862], %parallel_loop3A_865 {strides = array<i32>} : memref<112x1024xf32, #tpu.memory_space<vmem>>, vector<1x16xf32>,
        %parallel_loop3A_866 = arith.addi %mul3A_242, %parallel_loop3A_263 : i32
        %parallel_loop3A_867 = arith.index_cast %parallel_loop3A_866 : i32 to index
        %parallel_loop3A_868 = arith.constant 688 : index
        %parallel_loop3A_869 = tpu.vector_load %arg6[%parallel_loop3A_867, %parallel_loop3A_868] {strides = array<i32>} : memref<112x1024xf32, #tpu.memory_space<vmem>>, vector<1x16xf32>,
        %parallel_loop3A_870 = vector.shape_cast %parallel_loop3A_869 : vector<1x16xf32> to vector<16xf32>
        %parallel_loop3A_871 = arith.constant 3.200000e+01 : f32
        %parallel_loop3A_872 = vector.broadcast %parallel_loop3A_871 : f32 to vector<16xf32>
        %parallel_loop3A_873 = arith.mulf %parallel_loop3A_870, %parallel_loop3A_872 : vector<16xf32>
        %parallel_loop3A_874 = arith.addi %mul3A_242, %parallel_loop3A_263 : i32
        %parallel_loop3A_875 = arith.index_cast %parallel_loop3A_874 : i32 to index
        %parallel_loop3A_876 = arith.constant 688 : index
        %parallel_loop3A_877 = tpu.vector_load %arg6[%parallel_loop3A_875, %parallel_loop3A_876] {strides = array<i32>} : memref<112x1024xf32, #tpu.memory_space<vmem>>, vector<1x16xf32>,
        %parallel_loop3A_878 = vector.shape_cast %parallel_loop3A_877 : vector<1x16xf32> to vector<16xf32>
        %parallel_loop3A_879 = vector.shape_cast %parallel_loop3A_873 : vector<16xf32> to vector<1x16xf32>
        tpu.vector_store %arg6[%parallel_loop3A_875, %parallel_loop3A_876], %parallel_loop3A_879 {strides = array<i32>} : memref<112x1024xf32, #tpu.memory_space<vmem>>, vector<1x16xf32>,
        %parallel_loop3A_880 = arith.addi %mul3A_242, %parallel_loop3A_263 : i32
        %parallel_loop3A_881 = arith.index_cast %parallel_loop3A_880 : i32 to index
        %parallel_loop3A_882 = arith.constant 704 : index
        %parallel_loop3A_883 = tpu.vector_load %arg6[%parallel_loop3A_881, %parallel_loop3A_882] {strides = array<i32>} : memref<112x1024xf32, #tpu.memory_space<vmem>>, vector<1x16xf32>,
        %parallel_loop3A_884 = vector.shape_cast %parallel_loop3A_883 : vector<1x16xf32> to vector<16xf32>
        %parallel_loop3A_885 = arith.constant 3.200000e+01 : f32
        %parallel_loop3A_886 = vector.broadcast %parallel_loop3A_885 : f32 to vector<16xf32>
        %parallel_loop3A_887 = arith.mulf %parallel_loop3A_884, %parallel_loop3A_886 : vector<16xf32>
        %parallel_loop3A_888 = arith.addi %mul3A_242, %parallel_loop3A_263 : i32
        %parallel_loop3A_889 = arith.index_cast %parallel_loop3A_888 : i32 to index
        %parallel_loop3A_890 = arith.constant 704 : index
        %parallel_loop3A_891 = tpu.vector_load %arg6[%parallel_loop3A_889, %parallel_loop3A_890] {strides = array<i32>} : memref<112x1024xf32, #tpu.memory_space<vmem>>, vector<1x16xf32>,
        %parallel_loop3A_892 = vector.shape_cast %parallel_loop3A_891 : vector<1x16xf32> to vector<16xf32>
        %parallel_loop3A_893 = vector.shape_cast %parallel_loop3A_887 : vector<16xf32> to vector<1x16xf32>
        tpu.vector_store %arg6[%parallel_loop3A_889, %parallel_loop3A_890], %parallel_loop3A_893 {strides = array<i32>} : memref<112x1024xf32, #tpu.memory_space<vmem>>, vector<1x16xf32>,
        %parallel_loop3A_894 = arith.addi %mul3A_242, %parallel_loop3A_263 : i32
        %parallel_loop3A_895 = arith.index_cast %parallel_loop3A_894 : i32 to index
        %parallel_loop3A_896 = arith.constant 720 : index
        %parallel_loop3A_897 = tpu.vector_load %arg6[%parallel_loop3A_895, %parallel_loop3A_896] {strides = array<i32>} : memref<112x1024xf32, #tpu.memory_space<vmem>>, vector<1x16xf32>,
        %parallel_loop3A_898 = vector.shape_cast %parallel_loop3A_897 : vector<1x16xf32> to vector<16xf32>
        %parallel_loop3A_899 = arith.constant 3.200000e+01 : f32
        %parallel_loop3A_900 = vector.broadcast %parallel_loop3A_899 : f32 to vector<16xf32>
        %parallel_loop3A_901 = arith.mulf %parallel_loop3A_898, %parallel_loop3A_900 : vector<16xf32>
        %parallel_loop3A_902 = arith.addi %mul3A_242, %parallel_loop3A_263 : i32
        %parallel_loop3A_903 = arith.index_cast %parallel_loop3A_902 : i32 to index
        %parallel_loop3A_904 = arith.constant 720 : index
        %parallel_loop3A_905 = tpu.vector_load %arg6[%parallel_loop3A_903, %parallel_loop3A_904] {strides = array<i32>} : memref<112x1024xf32, #tpu.memory_space<vmem>>, vector<1x16xf32>,
        %parallel_loop3A_906 = vector.shape_cast %parallel_loop3A_905 : vector<1x16xf32> to vector<16xf32>
        %parallel_loop3A_907 = vector.shape_cast %parallel_loop3A_901 : vector<16xf32> to vector<1x16xf32>
        tpu.vector_store %arg6[%parallel_loop3A_903, %parallel_loop3A_904], %parallel_loop3A_907 {strides = array<i32>} : memref<112x1024xf32, #tpu.memory_space<vmem>>, vector<1x16xf32>,
        %parallel_loop3A_908 = arith.addi %mul3A_242, %parallel_loop3A_263 : i32
        %parallel_loop3A_909 = arith.index_cast %parallel_loop3A_908 : i32 to index
        %parallel_loop3A_910 = arith.constant 736 : index
        %parallel_loop3A_911 = tpu.vector_load %arg6[%parallel_loop3A_909, %parallel_loop3A_910] {strides = array<i32>} : memref<112x1024xf32, #tpu.memory_space<vmem>>, vector<1x16xf32>,
        %parallel_loop3A_912 = vector.shape_cast %parallel_loop3A_911 : vector<1x16xf32> to vector<16xf32>
        %parallel_loop3A_913 = arith.constant 3.200000e+01 : f32
        %parallel_loop3A_914 = vector.broadcast %parallel_loop3A_913 : f32 to vector<16xf32>
        %parallel_loop3A_915 = arith.mulf %parallel_loop3A_912, %parallel_loop3A_914 : vector<16xf32>
        %parallel_loop3A_916 = arith.addi %mul3A_242, %parallel_loop3A_263 : i32
        %parallel_loop3A_917 = arith.index_cast %parallel_loop3A_916 : i32 to index
        %parallel_loop3A_918 = arith.constant 736 : index
        %parallel_loop3A_919 = tpu.vector_load %arg6[%parallel_loop3A_917, %parallel_loop3A_918] {strides = array<i32>} : memref<112x1024xf32, #tpu.memory_space<vmem>>, vector<1x16xf32>,
        %parallel_loop3A_920 = vector.shape_cast %parallel_loop3A_919 : vector<1x16xf32> to vector<16xf32>
        %parallel_loop3A_921 = vector.shape_cast %parallel_loop3A_915 : vector<16xf32> to vector<1x16xf32>
        tpu.vector_store %arg6[%parallel_loop3A_917, %parallel_loop3A_918], %parallel_loop3A_921 {strides = array<i32>} : memref<112x1024xf32, #tpu.memory_space<vmem>>, vector<1x16xf32>,
        %parallel_loop3A_922 = arith.addi %mul3A_242, %parallel_loop3A_263 : i32
        %parallel_loop3A_923 = arith.index_cast %parallel_loop3A_922 : i32 to index
        %parallel_loop3A_924 = arith.constant 752 : index
        %parallel_loop3A_925 = tpu.vector_load %arg6[%parallel_loop3A_923, %parallel_loop3A_924] {strides = array<i32>} : memref<112x1024xf32, #tpu.memory_space<vmem>>, vector<1x16xf32>,
        %parallel_loop3A_926 = vector.shape_cast %parallel_loop3A_925 : vector<1x16xf32> to vector<16xf32>
        %parallel_loop3A_927 = arith.constant 3.200000e+01 : f32
        %parallel_loop3A_928 = vector.broadcast %parallel_loop3A_927 : f32 to vector<16xf32>
        %parallel_loop3A_929 = arith.mulf %parallel_loop3A_926, %parallel_loop3A_928 : vector<16xf32>
        %parallel_loop3A_930 = arith.addi %mul3A_242, %parallel_loop3A_263 : i32
        %parallel_loop3A_931 = arith.index_cast %parallel_loop3A_930 : i32 to index
        %parallel_loop3A_932 = arith.constant 752 : index
        %parallel_loop3A_933 = tpu.vector_load %arg6[%parallel_loop3A_931, %parallel_loop3A_932] {strides = array<i32>} : memref<112x1024xf32, #tpu.memory_space<vmem>>, vector<1x16xf32>,
        %parallel_loop3A_934 = vector.shape_cast %parallel_loop3A_933 : vector<1x16xf32> to vector<16xf32>
        %parallel_loop3A_935 = vector.shape_cast %parallel_loop3A_929 : vector<16xf32> to vector<1x16xf32>
        tpu.vector_store %arg6[%parallel_loop3A_931, %parallel_loop3A_932], %parallel_loop3A_935 {strides = array<i32>} : memref<112x1024xf32, #tpu.memory_space<vmem>>, vector<1x16xf32>,
        %parallel_loop3A_936 = arith.addi %mul3A_242, %parallel_loop3A_263 : i32
        %parallel_loop3A_937 = arith.index_cast %parallel_loop3A_936 : i32 to index
        %parallel_loop3A_938 = arith.constant 768 : index
        %parallel_loop3A_939 = tpu.vector_load %arg6[%parallel_loop3A_937, %parallel_loop3A_938] {strides = array<i32>} : memref<112x1024xf32, #tpu.memory_space<vmem>>, vector<1x16xf32>,
        %parallel_loop3A_940 = vector.shape_cast %parallel_loop3A_939 : vector<1x16xf32> to vector<16xf32>
        %parallel_loop3A_941 = arith.constant 3.200000e+01 : f32
        %parallel_loop3A_942 = vector.broadcast %parallel_loop3A_941 : f32 to vector<16xf32>
        %parallel_loop3A_943 = arith.mulf %parallel_loop3A_940, %parallel_loop3A_942 : vector<16xf32>
        %parallel_loop3A_944 = arith.addi %mul3A_242, %parallel_loop3A_263 : i32
        %parallel_loop3A_945 = arith.index_cast %parallel_loop3A_944 : i32 to index
        %parallel_loop3A_946 = arith.constant 768 : index
        %parallel_loop3A_947 = tpu.vector_load %arg6[%parallel_loop3A_945, %parallel_loop3A_946] {strides = array<i32>} : memref<112x1024xf32, #tpu.memory_space<vmem>>, vector<1x16xf32>,
        %parallel_loop3A_948 = vector.shape_cast %parallel_loop3A_947 : vector<1x16xf32> to vector<16xf32>
        %parallel_loop3A_949 = vector.shape_cast %parallel_loop3A_943 : vector<16xf32> to vector<1x16xf32>
        tpu.vector_store %arg6[%parallel_loop3A_945, %parallel_loop3A_946], %parallel_loop3A_949 {strides = array<i32>} : memref<112x1024xf32, #tpu.memory_space<vmem>>, vector<1x16xf32>,
        %parallel_loop3A_950 = arith.addi %mul3A_242, %parallel_loop3A_263 : i32
        %parallel_loop3A_951 = arith.index_cast %parallel_loop3A_950 : i32 to index
        %parallel_loop3A_952 = arith.constant 784 : index
        %parallel_loop3A_953 = tpu.vector_load %arg6[%parallel_loop3A_951, %parallel_loop3A_952] {strides = array<i32>} : memref<112x1024xf32, #tpu.memory_space<vmem>>, vector<1x16xf32>,
        %parallel_loop3A_954 = vector.shape_cast %parallel_loop3A_953 : vector<1x16xf32> to vector<16xf32>
        %parallel_loop3A_955 = arith.constant 3.200000e+01 : f32
        %parallel_loop3A_956 = vector.broadcast %parallel_loop3A_955 : f32 to vector<16xf32>
        %parallel_loop3A_957 = arith.mulf %parallel_loop3A_954, %parallel_loop3A_956 : vector<16xf32>
        %parallel_loop3A_958 = arith.addi %mul3A_242, %parallel_loop3A_263 : i32
        %parallel_loop3A_959 = arith.index_cast %parallel_loop3A_958 : i32 to index
        %parallel_loop3A_960 = arith.constant 784 : index
        %parallel_loop3A_961 = tpu.vector_load %arg6[%parallel_loop3A_959, %parallel_loop3A_960] {strides = array<i32>} : memref<112x1024xf32, #tpu.memory_space<vmem>>, vector<1x16xf32>,
        %parallel_loop3A_962 = vector.shape_cast %parallel_loop3A_961 : vector<1x16xf32> to vector<16xf32>
        %parallel_loop3A_963 = vector.shape_cast %parallel_loop3A_957 : vector<16xf32> to vector<1x16xf32>
        tpu.vector_store %arg6[%parallel_loop3A_959, %parallel_loop3A_960], %parallel_loop3A_963 {strides = array<i32>} : memref<112x1024xf32, #tpu.memory_space<vmem>>, vector<1x16xf32>,
        %parallel_loop3A_964 = arith.addi %mul3A_242, %parallel_loop3A_263 : i32
        %parallel_loop3A_965 = arith.index_cast %parallel_loop3A_964 : i32 to index
        %parallel_loop3A_966 = arith.constant 800 : index
        %parallel_loop3A_967 = tpu.vector_load %arg6[%parallel_loop3A_965, %parallel_loop3A_966] {strides = array<i32>} : memref<112x1024xf32, #tpu.memory_space<vmem>>, vector<1x16xf32>,
        %parallel_loop3A_968 = vector.shape_cast %parallel_loop3A_967 : vector<1x16xf32> to vector<16xf32>
        %parallel_loop3A_969 = arith.constant 3.200000e+01 : f32
        %parallel_loop3A_970 = vector.broadcast %parallel_loop3A_969 : f32 to vector<16xf32>
        %parallel_loop3A_971 = arith.mulf %parallel_loop3A_968, %parallel_loop3A_970 : vector<16xf32>
        %parallel_loop3A_972 = arith.addi %mul3A_242, %parallel_loop3A_263 : i32
        %parallel_loop3A_973 = arith.index_cast %parallel_loop3A_972 : i32 to index
        %parallel_loop3A_974 = arith.constant 800 : index
        %parallel_loop3A_975 = tpu.vector_load %arg6[%parallel_loop3A_973, %parallel_loop3A_974] {strides = array<i32>} : memref<112x1024xf32, #tpu.memory_space<vmem>>, vector<1x16xf32>,
        %parallel_loop3A_976 = vector.shape_cast %parallel_loop3A_975 : vector<1x16xf32> to vector<16xf32>
        %parallel_loop3A_977 = vector.shape_cast %parallel_loop3A_971 : vector<16xf32> to vector<1x16xf32>
        tpu.vector_store %arg6[%parallel_loop3A_973, %parallel_loop3A_974], %parallel_loop3A_977 {strides = array<i32>} : memref<112x1024xf32, #tpu.memory_space<vmem>>, vector<1x16xf32>,
        %parallel_loop3A_978 = arith.addi %mul3A_242, %parallel_loop3A_263 : i32
        %parallel_loop3A_979 = arith.index_cast %parallel_loop3A_978 : i32 to index
        %parallel_loop3A_980 = arith.constant 816 : index
        %parallel_loop3A_981 = tpu.vector_load %arg6[%parallel_loop3A_979, %parallel_loop3A_980] {strides = array<i32>} : memref<112x1024xf32, #tpu.memory_space<vmem>>, vector<1x16xf32>,
        %parallel_loop3A_982 = vector.shape_cast %parallel_loop3A_981 : vector<1x16xf32> to vector<16xf32>
        %parallel_loop3A_983 = arith.constant 3.200000e+01 : f32
        %parallel_loop3A_984 = vector.broadcast %parallel_loop3A_983 : f32 to vector<16xf32>
        %parallel_loop3A_985 = arith.mulf %parallel_loop3A_982, %parallel_loop3A_984 : vector<16xf32>
        %parallel_loop3A_986 = arith.addi %mul3A_242, %parallel_loop3A_263 : i32
        %parallel_loop3A_987 = arith.index_cast %parallel_loop3A_986 : i32 to index
        %parallel_loop3A_988 = arith.constant 816 : index
        %parallel_loop3A_989 = tpu.vector_load %arg6[%parallel_loop3A_987, %parallel_loop3A_988] {strides = array<i32>} : memref<112x1024xf32, #tpu.memory_space<vmem>>, vector<1x16xf32>,
        %parallel_loop3A_990 = vector.shape_cast %parallel_loop3A_989 : vector<1x16xf32> to vector<16xf32>
        %parallel_loop3A_991 = vector.shape_cast %parallel_loop3A_985 : vector<16xf32> to vector<1x16xf32>
        tpu.vector_store %arg6[%parallel_loop3A_987, %parallel_loop3A_988], %parallel_loop3A_991 {strides = array<i32>} : memref<112x1024xf32, #tpu.memory_space<vmem>>, vector<1x16xf32>,
        %parallel_loop3A_992 = arith.addi %mul3A_242, %parallel_loop3A_263 : i32
        %parallel_loop3A_993 = arith.index_cast %parallel_loop3A_992 : i32 to index
        %parallel_loop3A_994 = arith.constant 832 : index
        %parallel_loop3A_995 = tpu.vector_load %arg6[%parallel_loop3A_993, %parallel_loop3A_994] {strides = array<i32>} : memref<112x1024xf32, #tpu.memory_space<vmem>>, vector<1x16xf32>,
        %parallel_loop3A_996 = vector.shape_cast %parallel_loop3A_995 : vector<1x16xf32> to vector<16xf32>
        %parallel_loop3A_997 = arith.constant 3.200000e+01 : f32
        %parallel_loop3A_998 = vector.broadcast %parallel_loop3A_997 : f32 to vector<16xf32>
        %parallel_loop3A_999 = arith.mulf %parallel_loop3A_996, %parallel_loop3A_998 : vector<16xf32>
        %parallel_loop3A_1000 = arith.addi %mul3A_242, %parallel_loop3A_263 : i32
        %parallel_loop3A_1001 = arith.index_cast %parallel_loop3A_1000 : i32 to index
        %parallel_loop3A_1002 = arith.constant 832 : index
        %parallel_loop3A_1003 = tpu.vector_load %arg6[%parallel_loop3A_1001, %parallel_loop3A_1002] {strides = array<i32>} : memref<112x1024xf32, #tpu.memory_space<vmem>>, vector<1x16xf32>,
        %parallel_loop3A_1004 = vector.shape_cast %parallel_loop3A_1003 : vector<1x16xf32> to vector<16xf32>
        %parallel_loop3A_1005 = vector.shape_cast %parallel_loop3A_999 : vector<16xf32> to vector<1x16xf32>
        tpu.vector_store %arg6[%parallel_loop3A_1001, %parallel_loop3A_1002], %parallel_loop3A_1005 {strides = array<i32>} : memref<112x1024xf32, #tpu.memory_space<vmem>>, vector<1x16xf32>,
        %parallel_loop3A_1006 = arith.addi %mul3A_242, %parallel_loop3A_263 : i32
        %parallel_loop3A_1007 = arith.index_cast %parallel_loop3A_1006 : i32 to index
        %parallel_loop3A_1008 = arith.constant 848 : index
        %parallel_loop3A_1009 = tpu.vector_load %arg6[%parallel_loop3A_1007, %parallel_loop3A_1008] {strides = array<i32>} : memref<112x1024xf32, #tpu.memory_space<vmem>>, vector<1x16xf32>,
        %parallel_loop3A_1010 = vector.shape_cast %parallel_loop3A_1009 : vector<1x16xf32> to vector<16xf32>
        %parallel_loop3A_1011 = arith.constant 3.200000e+01 : f32
        %parallel_loop3A_1012 = vector.broadcast %parallel_loop3A_1011 : f32 to vector<16xf32>
        %parallel_loop3A_1013 = arith.mulf %parallel_loop3A_1010, %parallel_loop3A_1012 : vector<16xf32>
        %parallel_loop3A_1014 = arith.addi %mul3A_242, %parallel_loop3A_263 : i32
        %parallel_loop3A_1015 = arith.index_cast %parallel_loop3A_1014 : i32 to index
        %parallel_loop3A_1016 = arith.constant 848 : index
        %parallel_loop3A_1017 = tpu.vector_load %arg6[%parallel_loop3A_1015, %parallel_loop3A_1016] {strides = array<i32>} : memref<112x1024xf32, #tpu.memory_space<vmem>>, vector<1x16xf32>,
        %parallel_loop3A_1018 = vector.shape_cast %parallel_loop3A_1017 : vector<1x16xf32> to vector<16xf32>
        %parallel_loop3A_1019 = vector.shape_cast %parallel_loop3A_1013 : vector<16xf32> to vector<1x16xf32>
        tpu.vector_store %arg6[%parallel_loop3A_1015, %parallel_loop3A_1016], %parallel_loop3A_1019 {strides = array<i32>} : memref<112x1024xf32, #tpu.memory_space<vmem>>, vector<1x16xf32>,
        %parallel_loop3A_1020 = arith.addi %mul3A_242, %parallel_loop3A_263 : i32
        %parallel_loop3A_1021 = arith.index_cast %parallel_loop3A_1020 : i32 to index
        %parallel_loop3A_1022 = arith.constant 864 : index
        %parallel_loop3A_1023 = tpu.vector_load %arg6[%parallel_loop3A_1021, %parallel_loop3A_1022] {strides = array<i32>} : memref<112x1024xf32, #tpu.memory_space<vmem>>, vector<1x16xf32>,
        %parallel_loop3A_1024 = vector.shape_cast %parallel_loop3A_1023 : vector<1x16xf32> to vector<16xf32>
        %parallel_loop3A_1025 = arith.constant 3.200000e+01 : f32
        %parallel_loop3A_1026 = vector.broadcast %parallel_loop3A_1025 : f32 to vector<16xf32>
        %parallel_loop3A_1027 = arith.mulf %parallel_loop3A_1024, %parallel_loop3A_1026 : vector<16xf32>
        %parallel_loop3A_1028 = arith.addi %mul3A_242, %parallel_loop3A_263 : i32
        %parallel_loop3A_1029 = arith.index_cast %parallel_loop3A_1028 : i32 to index
        %parallel_loop3A_1030 = arith.constant 864 : index
        %parallel_loop3A_1031 = tpu.vector_load %arg6[%parallel_loop3A_1029, %parallel_loop3A_1030] {strides = array<i32>} : memref<112x1024xf32, #tpu.memory_space<vmem>>, vector<1x16xf32>,
        %parallel_loop3A_1032 = vector.shape_cast %parallel_loop3A_1031 : vector<1x16xf32> to vector<16xf32>
        %parallel_loop3A_1033 = vector.shape_cast %parallel_loop3A_1027 : vector<16xf32> to vector<1x16xf32>
        tpu.vector_store %arg6[%parallel_loop3A_1029, %parallel_loop3A_1030], %parallel_loop3A_1033 {strides = array<i32>} : memref<112x1024xf32, #tpu.memory_space<vmem>>, vector<1x16xf32>,
        %parallel_loop3A_1034 = arith.addi %mul3A_242, %parallel_loop3A_263 : i32
        %parallel_loop3A_1035 = arith.index_cast %parallel_loop3A_1034 : i32 to index
        %parallel_loop3A_1036 = arith.constant 880 : index
        %parallel_loop3A_1037 = tpu.vector_load %arg6[%parallel_loop3A_1035, %parallel_loop3A_1036] {strides = array<i32>} : memref<112x1024xf32, #tpu.memory_space<vmem>>, vector<1x16xf32>,
        %parallel_loop3A_1038 = vector.shape_cast %parallel_loop3A_1037 : vector<1x16xf32> to vector<16xf32>
        %parallel_loop3A_1039 = arith.constant 3.200000e+01 : f32
        %parallel_loop3A_1040 = vector.broadcast %parallel_loop3A_1039 : f32 to vector<16xf32>
        %parallel_loop3A_1041 = arith.mulf %parallel_loop3A_1038, %parallel_loop3A_1040 : vector<16xf32>
        %parallel_loop3A_1042 = arith.addi %mul3A_242, %parallel_loop3A_263 : i32
        %parallel_loop3A_1043 = arith.index_cast %parallel_loop3A_1042 : i32 to index
        %parallel_loop3A_1044 = arith.constant 880 : index
        %parallel_loop3A_1045 = tpu.vector_load %arg6[%parallel_loop3A_1043, %parallel_loop3A_1044] {strides = array<i32>} : memref<112x1024xf32, #tpu.memory_space<vmem>>, vector<1x16xf32>,
        %parallel_loop3A_1046 = vector.shape_cast %parallel_loop3A_1045 : vector<1x16xf32> to vector<16xf32>
        %parallel_loop3A_1047 = vector.shape_cast %parallel_loop3A_1041 : vector<16xf32> to vector<1x16xf32>
        tpu.vector_store %arg6[%parallel_loop3A_1043, %parallel_loop3A_1044], %parallel_loop3A_1047 {strides = array<i32>} : memref<112x1024xf32, #tpu.memory_space<vmem>>, vector<1x16xf32>,
        %parallel_loop3A_1048 = arith.addi %mul3A_242, %parallel_loop3A_263 : i32
        %parallel_loop3A_1049 = arith.index_cast %parallel_loop3A_1048 : i32 to index
        %parallel_loop3A_1050 = arith.constant 896 : index
        %parallel_loop3A_1051 = tpu.vector_load %arg6[%parallel_loop3A_1049, %parallel_loop3A_1050] {strides = array<i32>} : memref<112x1024xf32, #tpu.memory_space<vmem>>, vector<1x16xf32>,
        %parallel_loop3A_1052 = vector.shape_cast %parallel_loop3A_1051 : vector<1x16xf32> to vector<16xf32>
        %parallel_loop3A_1053 = arith.constant 3.200000e+01 : f32
        %parallel_loop3A_1054 = vector.broadcast %parallel_loop3A_1053 : f32 to vector<16xf32>
        %parallel_loop3A_1055 = arith.mulf %parallel_loop3A_1052, %parallel_loop3A_1054 : vector<16xf32>
        %parallel_loop3A_1056 = arith.addi %mul3A_242, %parallel_loop3A_263 : i32
        %parallel_loop3A_1057 = arith.index_cast %parallel_loop3A_1056 : i32 to index
        %parallel_loop3A_1058 = arith.constant 896 : index
        %parallel_loop3A_1059 = tpu.vector_load %arg6[%parallel_loop3A_1057, %parallel_loop3A_1058] {strides = array<i32>} : memref<112x1024xf32, #tpu.memory_space<vmem>>, vector<1x16xf32>,
        %parallel_loop3A_1060 = vector.shape_cast %parallel_loop3A_1059 : vector<1x16xf32> to vector<16xf32>
        %parallel_loop3A_1061 = vector.shape_cast %parallel_loop3A_1055 : vector<16xf32> to vector<1x16xf32>
        tpu.vector_store %arg6[%parallel_loop3A_1057, %parallel_loop3A_1058], %parallel_loop3A_1061 {strides = array<i32>} : memref<112x1024xf32, #tpu.memory_space<vmem>>, vector<1x16xf32>,
        %parallel_loop3A_1062 = arith.addi %mul3A_242, %parallel_loop3A_263 : i32
        %parallel_loop3A_1063 = arith.index_cast %parallel_loop3A_1062 : i32 to index
        %parallel_loop3A_1064 = arith.constant 912 : index
        %parallel_loop3A_1065 = tpu.vector_load %arg6[%parallel_loop3A_1063, %parallel_loop3A_1064] {strides = array<i32>} : memref<112x1024xf32, #tpu.memory_space<vmem>>, vector<1x16xf32>,
        %parallel_loop3A_1066 = vector.shape_cast %parallel_loop3A_1065 : vector<1x16xf32> to vector<16xf32>
        %parallel_loop3A_1067 = arith.constant 3.200000e+01 : f32
        %parallel_loop3A_1068 = vector.broadcast %parallel_loop3A_1067 : f32 to vector<16xf32>
        %parallel_loop3A_1069 = arith.mulf %parallel_loop3A_1066, %parallel_loop3A_1068 : vector<16xf32>
        %parallel_loop3A_1070 = arith.addi %mul3A_242, %parallel_loop3A_263 : i32
        %parallel_loop3A_1071 = arith.index_cast %parallel_loop3A_1070 : i32 to index
        %parallel_loop3A_1072 = arith.constant 912 : index
        %parallel_loop3A_1073 = tpu.vector_load %arg6[%parallel_loop3A_1071, %parallel_loop3A_1072] {strides = array<i32>} : memref<112x1024xf32, #tpu.memory_space<vmem>>, vector<1x16xf32>,
        %parallel_loop3A_1074 = vector.shape_cast %parallel_loop3A_1073 : vector<1x16xf32> to vector<16xf32>
        %parallel_loop3A_1075 = vector.shape_cast %parallel_loop3A_1069 : vector<16xf32> to vector<1x16xf32>
        tpu.vector_store %arg6[%parallel_loop3A_1071, %parallel_loop3A_1072], %parallel_loop3A_1075 {strides = array<i32>} : memref<112x1024xf32, #tpu.memory_space<vmem>>, vector<1x16xf32>,
        %parallel_loop3A_1076 = arith.addi %mul3A_242, %parallel_loop3A_263 : i32
        %parallel_loop3A_1077 = arith.index_cast %parallel_loop3A_1076 : i32 to index
        %parallel_loop3A_1078 = arith.constant 928 : index
        %parallel_loop3A_1079 = tpu.vector_load %arg6[%parallel_loop3A_1077, %parallel_loop3A_1078] {strides = array<i32>} : memref<112x1024xf32, #tpu.memory_space<vmem>>, vector<1x16xf32>,
        %parallel_loop3A_1080 = vector.shape_cast %parallel_loop3A_1079 : vector<1x16xf32> to vector<16xf32>
        %parallel_loop3A_1081 = arith.constant 3.200000e+01 : f32
        %parallel_loop3A_1082 = vector.broadcast %parallel_loop3A_1081 : f32 to vector<16xf32>
        %parallel_loop3A_1083 = arith.mulf %parallel_loop3A_1080, %parallel_loop3A_1082 : vector<16xf32>
        %parallel_loop3A_1084 = arith.addi %mul3A_242, %parallel_loop3A_263 : i32
        %parallel_loop3A_1085 = arith.index_cast %parallel_loop3A_1084 : i32 to index
        %parallel_loop3A_1086 = arith.constant 928 : index
        %parallel_loop3A_1087 = tpu.vector_load %arg6[%parallel_loop3A_1085, %parallel_loop3A_1086] {strides = array<i32>} : memref<112x1024xf32, #tpu.memory_space<vmem>>, vector<1x16xf32>,
        %parallel_loop3A_1088 = vector.shape_cast %parallel_loop3A_1087 : vector<1x16xf32> to vector<16xf32>
        %parallel_loop3A_1089 = vector.shape_cast %parallel_loop3A_1083 : vector<16xf32> to vector<1x16xf32>
        tpu.vector_store %arg6[%parallel_loop3A_1085, %parallel_loop3A_1086], %parallel_loop3A_1089 {strides = array<i32>} : memref<112x1024xf32, #tpu.memory_space<vmem>>, vector<1x16xf32>,
        %parallel_loop3A_1090 = arith.addi %mul3A_242, %parallel_loop3A_263 : i32
        %parallel_loop3A_1091 = arith.index_cast %parallel_loop3A_1090 : i32 to index
        %parallel_loop3A_1092 = arith.constant 944 : index
        %parallel_loop3A_1093 = tpu.vector_load %arg6[%parallel_loop3A_1091, %parallel_loop3A_1092] {strides = array<i32>} : memref<112x1024xf32, #tpu.memory_space<vmem>>, vector<1x16xf32>,
        %parallel_loop3A_1094 = vector.shape_cast %parallel_loop3A_1093 : vector<1x16xf32> to vector<16xf32>
        %parallel_loop3A_1095 = arith.constant 3.200000e+01 : f32
        %parallel_loop3A_1096 = vector.broadcast %parallel_loop3A_1095 : f32 to vector<16xf32>
        %parallel_loop3A_1097 = arith.mulf %parallel_loop3A_1094, %parallel_loop3A_1096 : vector<16xf32>
        %parallel_loop3A_1098 = arith.addi %mul3A_242, %parallel_loop3A_263 : i32
        %parallel_loop3A_1099 = arith.index_cast %parallel_loop3A_1098 : i32 to index
        %parallel_loop3A_1100 = arith.constant 944 : index
        %parallel_loop3A_1101 = tpu.vector_load %arg6[%parallel_loop3A_1099, %parallel_loop3A_1100] {strides = array<i32>} : memref<112x1024xf32, #tpu.memory_space<vmem>>, vector<1x16xf32>,
        %parallel_loop3A_1102 = vector.shape_cast %parallel_loop3A_1101 : vector<1x16xf32> to vector<16xf32>
        %parallel_loop3A_1103 = vector.shape_cast %parallel_loop3A_1097 : vector<16xf32> to vector<1x16xf32>
        tpu.vector_store %arg6[%parallel_loop3A_1099, %parallel_loop3A_1100], %parallel_loop3A_1103 {strides = array<i32>} : memref<112x1024xf32, #tpu.memory_space<vmem>>, vector<1x16xf32>,
        %parallel_loop3A_1104 = arith.addi %mul3A_242, %parallel_loop3A_263 : i32
        %parallel_loop3A_1105 = arith.index_cast %parallel_loop3A_1104 : i32 to index
        %parallel_loop3A_1106 = arith.constant 960 : index
        %parallel_loop3A_1107 = tpu.vector_load %arg6[%parallel_loop3A_1105, %parallel_loop3A_1106] {strides = array<i32>} : memref<112x1024xf32, #tpu.memory_space<vmem>>, vector<1x16xf32>,
        %parallel_loop3A_1108 = vector.shape_cast %parallel_loop3A_1107 : vector<1x16xf32> to vector<16xf32>
        %parallel_loop3A_1109 = arith.constant 3.200000e+01 : f32
        %parallel_loop3A_1110 = vector.broadcast %parallel_loop3A_1109 : f32 to vector<16xf32>
        %parallel_loop3A_1111 = arith.mulf %parallel_loop3A_1108, %parallel_loop3A_1110 : vector<16xf32>
        %parallel_loop3A_1112 = arith.addi %mul3A_242, %parallel_loop3A_263 : i32
        %parallel_loop3A_1113 = arith.index_cast %parallel_loop3A_1112 : i32 to index
        %parallel_loop3A_1114 = arith.constant 960 : index
        %parallel_loop3A_1115 = tpu.vector_load %arg6[%parallel_loop3A_1113, %parallel_loop3A_1114] {strides = array<i32>} : memref<112x1024xf32, #tpu.memory_space<vmem>>, vector<1x16xf32>,
        %parallel_loop3A_1116 = vector.shape_cast %parallel_loop3A_1115 : vector<1x16xf32> to vector<16xf32>
        %parallel_loop3A_1117 = vector.shape_cast %parallel_loop3A_1111 : vector<16xf32> to vector<1x16xf32>
        tpu.vector_store %arg6[%parallel_loop3A_1113, %parallel_loop3A_1114], %parallel_loop3A_1117 {strides = array<i32>} : memref<112x1024xf32, #tpu.memory_space<vmem>>, vector<1x16xf32>,
        %parallel_loop3A_1118 = arith.addi %mul3A_242, %parallel_loop3A_263 : i32
        %parallel_loop3A_1119 = arith.index_cast %parallel_loop3A_1118 : i32 to index
        %parallel_loop3A_1120 = arith.constant 976 : index
        %parallel_loop3A_1121 = tpu.vector_load %arg6[%parallel_loop3A_1119, %parallel_loop3A_1120] {strides = array<i32>} : memref<112x1024xf32, #tpu.memory_space<vmem>>, vector<1x16xf32>,
        %parallel_loop3A_1122 = vector.shape_cast %parallel_loop3A_1121 : vector<1x16xf32> to vector<16xf32>
        %parallel_loop3A_1123 = arith.constant 3.200000e+01 : f32
        %parallel_loop3A_1124 = vector.broadcast %parallel_loop3A_1123 : f32 to vector<16xf32>
        %parallel_loop3A_1125 = arith.mulf %parallel_loop3A_1122, %parallel_loop3A_1124 : vector<16xf32>
        %parallel_loop3A_1126 = arith.addi %mul3A_242, %parallel_loop3A_263 : i32
        %parallel_loop3A_1127 = arith.index_cast %parallel_loop3A_1126 : i32 to index
        %parallel_loop3A_1128 = arith.constant 976 : index
        %parallel_loop3A_1129 = tpu.vector_load %arg6[%parallel_loop3A_1127, %parallel_loop3A_1128] {strides = array<i32>} : memref<112x1024xf32, #tpu.memory_space<vmem>>, vector<1x16xf32>,
        %parallel_loop3A_1130 = vector.shape_cast %parallel_loop3A_1129 : vector<1x16xf32> to vector<16xf32>
        %parallel_loop3A_1131 = vector.shape_cast %parallel_loop3A_1125 : vector<16xf32> to vector<1x16xf32>
        tpu.vector_store %arg6[%parallel_loop3A_1127, %parallel_loop3A_1128], %parallel_loop3A_1131 {strides = array<i32>} : memref<112x1024xf32, #tpu.memory_space<vmem>>, vector<1x16xf32>,
        %parallel_loop3A_1132 = arith.addi %mul3A_242, %parallel_loop3A_263 : i32
        %parallel_loop3A_1133 = arith.index_cast %parallel_loop3A_1132 : i32 to index
        %parallel_loop3A_1134 = arith.constant 992 : index
        %parallel_loop3A_1135 = tpu.vector_load %arg6[%parallel_loop3A_1133, %parallel_loop3A_1134] {strides = array<i32>} : memref<112x1024xf32, #tpu.memory_space<vmem>>, vector<1x16xf32>,
        %parallel_loop3A_1136 = vector.shape_cast %parallel_loop3A_1135 : vector<1x16xf32> to vector<16xf32>
        %parallel_loop3A_1137 = arith.constant 3.200000e+01 : f32
        %parallel_loop3A_1138 = vector.broadcast %parallel_loop3A_1137 : f32 to vector<16xf32>
        %parallel_loop3A_1139 = arith.mulf %parallel_loop3A_1136, %parallel_loop3A_1138 : vector<16xf32>
        %parallel_loop3A_1140 = arith.addi %mul3A_242, %parallel_loop3A_263 : i32
        %parallel_loop3A_1141 = arith.index_cast %parallel_loop3A_1140 : i32 to index
        %parallel_loop3A_1142 = arith.constant 992 : index
        %parallel_loop3A_1143 = tpu.vector_load %arg6[%parallel_loop3A_1141, %parallel_loop3A_1142] {strides = array<i32>} : memref<112x1024xf32, #tpu.memory_space<vmem>>, vector<1x16xf32>,
        %parallel_loop3A_1144 = vector.shape_cast %parallel_loop3A_1143 : vector<1x16xf32> to vector<16xf32>
        %parallel_loop3A_1145 = vector.shape_cast %parallel_loop3A_1139 : vector<16xf32> to vector<1x16xf32>
        tpu.vector_store %arg6[%parallel_loop3A_1141, %parallel_loop3A_1142], %parallel_loop3A_1145 {strides = array<i32>} : memref<112x1024xf32, #tpu.memory_space<vmem>>, vector<1x16xf32>,
        %parallel_loop3A_1146 = arith.addi %mul3A_242, %parallel_loop3A_263 : i32
        %parallel_loop3A_1147 = arith.index_cast %parallel_loop3A_1146 : i32 to index
        %parallel_loop3A_1148 = arith.constant 1008 : index
        %parallel_loop3A_1149 = tpu.vector_load %arg6[%parallel_loop3A_1147, %parallel_loop3A_1148] {strides = array<i32>} : memref<112x1024xf32, #tpu.memory_space<vmem>>, vector<1x16xf32>,
        %parallel_loop3A_1150 = vector.shape_cast %parallel_loop3A_1149 : vector<1x16xf32> to vector<16xf32>
        %parallel_loop3A_1151 = arith.constant 3.200000e+01 : f32
        %parallel_loop3A_1152 = vector.broadcast %parallel_loop3A_1151 : f32 to vector<16xf32>
        %parallel_loop3A_1153 = arith.mulf %parallel_loop3A_1150, %parallel_loop3A_1152 : vector<16xf32>
        %parallel_loop3A_1154 = arith.addi %mul3A_242, %parallel_loop3A_263 : i32
        %parallel_loop3A_1155 = arith.index_cast %parallel_loop3A_1154 : i32 to index
        %parallel_loop3A_1156 = arith.constant 1008 : index
        %parallel_loop3A_1157 = tpu.vector_load %arg6[%parallel_loop3A_1155, %parallel_loop3A_1156] {strides = array<i32>} : memref<112x1024xf32, #tpu.memory_space<vmem>>, vector<1x16xf32>,
        %parallel_loop3A_1158 = vector.shape_cast %parallel_loop3A_1157 : vector<1x16xf32> to vector<16xf32>
        %parallel_loop3A_1159 = vector.shape_cast %parallel_loop3A_1153 : vector<16xf32> to vector<1x16xf32>
        tpu.vector_store %arg6[%parallel_loop3A_1155, %parallel_loop3A_1156], %parallel_loop3A_1159 {strides = array<i32>} : memref<112x1024xf32, #tpu.memory_space<vmem>>, vector<1x16xf32>,
      } {sc.loop_unroll_factor = 1 : i64, sc.parallel_access}
      %mul3A_245 = arith.constant 16 : i32
      %mul3A_246 = arith.muli %rem3A_221, %mul3A_245 : i32
      %mul3A_247 = arith.constant 16 : i32
      %mul3A_248 = arith.muli %scan3A_218, %mul3A_247 : i32
      %add3A_249 = arith.addi %mul3A_32, %mul3A_248 : i32
      %dma_start3A_250 = arith.constant 0 : i32
      %dma_start3A_251 = tpu.memref_slice %arg6[%mul3A_246, %dma_start3A_250] : memref<112x1024xf32, #tpu.memory_space<vmem>> -> memref<16x1024xf32, #tpu.memory_space<vmem>>
      %dma_start3A_252 = arith.constant 0 : i32
      %dma_start3A_253 = tpu.memref_slice %arg4[%select_n3A, %add3A_249, %dma_start3A_252] : memref<4x4096x1024xf32, #tpu.memory_space<hbm>> -> memref<1x16x1024xf32, #tpu.memory_space<hbm>>
      %dma_start3A_254 = tpu.memref_squeeze %dma_start3A_253 : memref<1x16x1024xf32, #tpu.memory_space<hbm>> -> memref<16x1024xf32, #tpu.memory_space<hbm>>
      %dma_start3A_255 = tpu.memref_slice %arg8[%rem3A_221] : memref<7x!tpu.dma_semaphore, #tpu.memory_space<semaphore_mem>> -> memref<1x!tpu.dma_semaphore, #tpu.memory_space<semaphore_mem>>
      %dma_start3A_256 = tpu.memref_squeeze %dma_start3A_255 : memref<1x!tpu.dma_semaphore, #tpu.memory_space<semaphore_mem>> -> memref<!tpu.dma_semaphore, #tpu.memory_space<semaphore_mem>>
      %dma_start3A_257 = arith.constant 0 : i32
      %dma_start3A_258 = tpu.memref_slice %arg4[%select_n3A, %add3A_249, %dma_start3A_257] : memref<4x4096x1024xf32, #tpu.memory_space<hbm>> -> memref<1x16x1024xf32, #tpu.memory_space<hbm>>
      %dma_start3A_259 = tpu.memref_squeeze %dma_start3A_258 : memref<1x16x1024xf32, #tpu.memory_space<hbm>> -> memref<16x1024xf32, #tpu.memory_space<hbm>>
      %dma_start3A_260 = arith.constant 0 : i32
      %dma_start3A_261 = tpu.memref_slice %arg6[%mul3A_246, %dma_start3A_260] : memref<112x1024xf32, #tpu.memory_space<vmem>> -> memref<16x1024xf32, #tpu.memory_space<vmem>>
      tpu.enqueue_dma source(%dma_start3A_261 : memref<16x1024xf32, #tpu.memory_space<vmem>>) target(%dma_start3A_259 : memref<16x1024xf32, #tpu.memory_space<hbm>>) target_semaphore(%dma_start3A_256 : memref<!tpu.dma_semaphore, #tpu.memory_space<semaphore_mem>>)
      %scan3A_262 = arith.constant 0 : i32
      scf.yield %scan3A_262 : i32
    }
    %scan3A_92 = arith.constant 32 : i32
    %dma_wait3A = arith.constant 0 : i32
    %dma_wait3A_93 = arith.constant 0 : i32
    %dma_wait3A_94 = arith.constant 0 : i32
    %dma_wait3A_95 = arith.constant 0 : i32
    %dma_wait3A_96 = tpu.memref_slice %arg6[%dma_wait3A_94, %dma_wait3A_95] : memref<112x1024xf32, #tpu.memory_space<vmem>> -> memref<16x1024xf32, #tpu.memory_space<vmem>>
    %dma_wait3A_97 = arith.constant 0 : i32
    %dma_wait3A_98 = arith.constant 0 : i32
    %dma_wait3A_99 = tpu.memref_slice %arg4[%dma_wait3A, %dma_wait3A_97, %dma_wait3A_98] : memref<4x4096x1024xf32, #tpu.memory_space<hbm>> -> memref<1x16x1024xf32, #tpu.memory_space<hbm>>
    %dma_wait3A_100 = tpu.memref_squeeze %dma_wait3A_99 : memref<1x16x1024xf32, #tpu.memory_space<hbm>> -> memref<16x1024xf32, #tpu.memory_space<hbm>>
    %dma_wait3A_101 = tpu.memref_slice %arg8[%dma_wait3A_93] : memref<7x!tpu.dma_semaphore, #tpu.memory_space<semaphore_mem>> -> memref<1x!tpu.dma_semaphore, #tpu.memory_space<semaphore_mem>>
    %dma_wait3A_102 = tpu.memref_squeeze %dma_wait3A_101 : memref<1x!tpu.dma_semaphore, #tpu.memory_space<semaphore_mem>> -> memref<!tpu.dma_semaphore, #tpu.memory_space<semaphore_mem>>
    %dma_wait3A_103 = arith.constant 0 : i32
    %dma_wait3A_104 = arith.constant 0 : i32
    %dma_wait3A_105 = tpu.memref_slice %arg4[%dma_wait3A, %dma_wait3A_103, %dma_wait3A_104] : memref<4x4096x1024xf32, #tpu.memory_space<hbm>> -> memref<1x16x1024xf32, #tpu.memory_space<hbm>>
    %dma_wait3A_106 = tpu.memref_squeeze %dma_wait3A_105 : memref<1x16x1024xf32, #tpu.memory_space<hbm>> -> memref<16x1024xf32, #tpu.memory_space<hbm>>
    %dma_wait3A_107 = arith.constant 0 : i32
    %dma_wait3A_108 = arith.constant 0 : i32
    %dma_wait3A_109 = tpu.memref_slice %arg6[%dma_wait3A_107, %dma_wait3A_108] : memref<112x1024xf32, #tpu.memory_space<vmem>> -> memref<16x1024xf32, #tpu.memory_space<vmem>>
    tpu.wait_dma2 semaphore(%dma_wait3A_102 : memref<!tpu.dma_semaphore, #tpu.memory_space<semaphore_mem>>) src(%dma_wait3A_109 : memref<16x1024xf32, #tpu.memory_space<vmem>>) dst(%dma_wait3A_106 : memref<16x1024xf32, #tpu.memory_space<hbm>>)
    %dma_wait3A_110 = arith.constant 0 : i32
    %dma_wait3A_111 = arith.constant 1 : i32
    %dma_wait3A_112 = arith.constant 16 : i32
    %dma_wait3A_113 = arith.constant 0 : i32
    %dma_wait3A_114 = tpu.memref_slice %arg6[%dma_wait3A_112, %dma_wait3A_113] : memref<112x1024xf32, #tpu.memory_space<vmem>> -> memref<16x1024xf32, #tpu.memory_space<vmem>>
    %dma_wait3A_115 = arith.constant 0 : i32
    %dma_wait3A_116 = arith.constant 0 : i32
    %dma_wait3A_117 = tpu.memref_slice %arg4[%dma_wait3A_110, %dma_wait3A_115, %dma_wait3A_116] : memref<4x4096x1024xf32, #tpu.memory_space<hbm>> -> memref<1x16x1024xf32, #tpu.memory_space<hbm>>
    %dma_wait3A_118 = tpu.memref_squeeze %dma_wait3A_117 : memref<1x16x1024xf32, #tpu.memory_space<hbm>> -> memref<16x1024xf32, #tpu.memory_space<hbm>>
    %dma_wait3A_119 = tpu.memref_slice %arg8[%dma_wait3A_111] : memref<7x!tpu.dma_semaphore, #tpu.memory_space<semaphore_mem>> -> memref<1x!tpu.dma_semaphore, #tpu.memory_space<semaphore_mem>>
    %dma_wait3A_120 = tpu.memref_squeeze %dma_wait3A_119 : memref<1x!tpu.dma_semaphore, #tpu.memory_space<semaphore_mem>> -> memref<!tpu.dma_semaphore, #tpu.memory_space<semaphore_mem>>
    %dma_wait3A_121 = arith.constant 0 : i32
    %dma_wait3A_122 = arith.constant 0 : i32
    %dma_wait3A_123 = tpu.memref_slice %arg4[%dma_wait3A_110, %dma_wait3A_121, %dma_wait3A_122] : memref<4x4096x1024xf32, #tpu.memory_space<hbm>> -> memref<1x16x1024xf32, #tpu.memory_space<hbm>>
    %dma_wait3A_124 = tpu.memref_squeeze %dma_wait3A_123 : memref<1x16x1024xf32, #tpu.memory_space<hbm>> -> memref<16x1024xf32, #tpu.memory_space<hbm>>
    %dma_wait3A_125 = arith.constant 16 : i32
    %dma_wait3A_126 = arith.constant 0 : i32
    %dma_wait3A_127 = tpu.memref_slice %arg6[%dma_wait3A_125, %dma_wait3A_126] : memref<112x1024xf32, #tpu.memory_space<vmem>> -> memref<16x1024xf32, #tpu.memory_space<vmem>>
    tpu.wait_dma2 semaphore(%dma_wait3A_120 : memref<!tpu.dma_semaphore, #tpu.memory_space<semaphore_mem>>) src(%dma_wait3A_127 : memref<16x1024xf32, #tpu.memory_space<vmem>>) dst(%dma_wait3A_124 : memref<16x1024xf32, #tpu.memory_space<hbm>>)
    %dma_wait3A_128 = arith.constant 0 : i32
    %dma_wait3A_129 = arith.constant 2 : i32
    %dma_wait3A_130 = arith.constant 32 : i32
    %dma_wait3A_131 = arith.constant 0 : i32
    %dma_wait3A_132 = tpu.memref_slice %arg6[%dma_wait3A_130, %dma_wait3A_131] : memref<112x1024xf32, #tpu.memory_space<vmem>> -> memref<16x1024xf32, #tpu.memory_space<vmem>>
    %dma_wait3A_133 = arith.constant 0 : i32
    %dma_wait3A_134 = arith.constant 0 : i32
    %dma_wait3A_135 = tpu.memref_slice %arg4[%dma_wait3A_128, %dma_wait3A_133, %dma_wait3A_134] : memref<4x4096x1024xf32, #tpu.memory_space<hbm>> -> memref<1x16x1024xf32, #tpu.memory_space<hbm>>
    %dma_wait3A_136 = tpu.memref_squeeze %dma_wait3A_135 : memref<1x16x1024xf32, #tpu.memory_space<hbm>> -> memref<16x1024xf32, #tpu.memory_space<hbm>>
    %dma_wait3A_137 = tpu.memref_slice %arg8[%dma_wait3A_129] : memref<7x!tpu.dma_semaphore, #tpu.memory_space<semaphore_mem>> -> memref<1x!tpu.dma_semaphore, #tpu.memory_space<semaphore_mem>>
    %dma_wait3A_138 = tpu.memref_squeeze %dma_wait3A_137 : memref<1x!tpu.dma_semaphore, #tpu.memory_space<semaphore_mem>> -> memref<!tpu.dma_semaphore, #tpu.memory_space<semaphore_mem>>
    %dma_wait3A_139 = arith.constant 0 : i32
    %dma_wait3A_140 = arith.constant 0 : i32
    %dma_wait3A_141 = tpu.memref_slice %arg4[%dma_wait3A_128, %dma_wait3A_139, %dma_wait3A_140] : memref<4x4096x1024xf32, #tpu.memory_space<hbm>> -> memref<1x16x1024xf32, #tpu.memory_space<hbm>>
    %dma_wait3A_142 = tpu.memref_squeeze %dma_wait3A_141 : memref<1x16x1024xf32, #tpu.memory_space<hbm>> -> memref<16x1024xf32, #tpu.memory_space<hbm>>
    %dma_wait3A_143 = arith.constant 32 : i32
    %dma_wait3A_144 = arith.constant 0 : i32
    %dma_wait3A_145 = tpu.memref_slice %arg6[%dma_wait3A_143, %dma_wait3A_144] : memref<112x1024xf32, #tpu.memory_space<vmem>> -> memref<16x1024xf32, #tpu.memory_space<vmem>>
    tpu.wait_dma2 semaphore(%dma_wait3A_138 : memref<!tpu.dma_semaphore, #tpu.memory_space<semaphore_mem>>) src(%dma_wait3A_145 : memref<16x1024xf32, #tpu.memory_space<vmem>>) dst(%dma_wait3A_142 : memref<16x1024xf32, #tpu.memory_space<hbm>>)
    %dma_wait3A_146 = arith.constant 0 : i32
    %dma_wait3A_147 = arith.constant 3 : i32
    %dma_wait3A_148 = arith.constant 48 : i32
    %dma_wait3A_149 = arith.constant 0 : i32
    %dma_wait3A_150 = tpu.memref_slice %arg6[%dma_wait3A_148, %dma_wait3A_149] : memref<112x1024xf32, #tpu.memory_space<vmem>> -> memref<16x1024xf32, #tpu.memory_space<vmem>>
    %dma_wait3A_151 = arith.constant 0 : i32
    %dma_wait3A_152 = arith.constant 0 : i32
    %dma_wait3A_153 = tpu.memref_slice %arg4[%dma_wait3A_146, %dma_wait3A_151, %dma_wait3A_152] : memref<4x4096x1024xf32, #tpu.memory_space<hbm>> -> memref<1x16x1024xf32, #tpu.memory_space<hbm>>
    %dma_wait3A_154 = tpu.memref_squeeze %dma_wait3A_153 : memref<1x16x1024xf32, #tpu.memory_space<hbm>> -> memref<16x1024xf32, #tpu.memory_space<hbm>>
    %dma_wait3A_155 = tpu.memref_slice %arg8[%dma_wait3A_147] : memref<7x!tpu.dma_semaphore, #tpu.memory_space<semaphore_mem>> -> memref<1x!tpu.dma_semaphore, #tpu.memory_space<semaphore_mem>>
    %dma_wait3A_156 = tpu.memref_squeeze %dma_wait3A_155 : memref<1x!tpu.dma_semaphore, #tpu.memory_space<semaphore_mem>> -> memref<!tpu.dma_semaphore, #tpu.memory_space<semaphore_mem>>
    %dma_wait3A_157 = arith.constant 0 : i32
    %dma_wait3A_158 = arith.constant 0 : i32
    %dma_wait3A_159 = tpu.memref_slice %arg4[%dma_wait3A_146, %dma_wait3A_157, %dma_wait3A_158] : memref<4x4096x1024xf32, #tpu.memory_space<hbm>> -> memref<1x16x1024xf32, #tpu.memory_space<hbm>>
    %dma_wait3A_160 = tpu.memref_squeeze %dma_wait3A_159 : memref<1x16x1024xf32, #tpu.memory_space<hbm>> -> memref<16x1024xf32, #tpu.memory_space<hbm>>
    %dma_wait3A_161 = arith.constant 48 : i32
    %dma_wait3A_162 = arith.constant 0 : i32
    %dma_wait3A_163 = tpu.memref_slice %arg6[%dma_wait3A_161, %dma_wait3A_162] : memref<112x1024xf32, #tpu.memory_space<vmem>> -> memref<16x1024xf32, #tpu.memory_space<vmem>>
    tpu.wait_dma2 semaphore(%dma_wait3A_156 : memref<!tpu.dma_semaphore, #tpu.memory_space<semaphore_mem>>) src(%dma_wait3A_163 : memref<16x1024xf32, #tpu.memory_space<vmem>>) dst(%dma_wait3A_160 : memref<16x1024xf32, #tpu.memory_space<hbm>>)
    %dma_wait3A_164 = arith.constant 0 : i32
    %dma_wait3A_165 = arith.constant 4 : i32
    %dma_wait3A_166 = arith.constant 64 : i32
    %dma_wait3A_167 = arith.constant 0 : i32
    %dma_wait3A_168 = tpu.memref_slice %arg6[%dma_wait3A_166, %dma_wait3A_167] : memref<112x1024xf32, #tpu.memory_space<vmem>> -> memref<16x1024xf32, #tpu.memory_space<vmem>>
    %dma_wait3A_169 = arith.constant 0 : i32
    %dma_wait3A_170 = arith.constant 0 : i32
    %dma_wait3A_171 = tpu.memref_slice %arg4[%dma_wait3A_164, %dma_wait3A_169, %dma_wait3A_170] : memref<4x4096x1024xf32, #tpu.memory_space<hbm>> -> memref<1x16x1024xf32, #tpu.memory_space<hbm>>
    %dma_wait3A_172 = tpu.memref_squeeze %dma_wait3A_171 : memref<1x16x1024xf32, #tpu.memory_space<hbm>> -> memref<16x1024xf32, #tpu.memory_space<hbm>>
    %dma_wait3A_173 = tpu.memref_slice %arg8[%dma_wait3A_165] : memref<7x!tpu.dma_semaphore, #tpu.memory_space<semaphore_mem>> -> memref<1x!tpu.dma_semaphore, #tpu.memory_space<semaphore_mem>>
    %dma_wait3A_174 = tpu.memref_squeeze %dma_wait3A_173 : memref<1x!tpu.dma_semaphore, #tpu.memory_space<semaphore_mem>> -> memref<!tpu.dma_semaphore, #tpu.memory_space<semaphore_mem>>
    %dma_wait3A_175 = arith.constant 0 : i32
    %dma_wait3A_176 = arith.constant 0 : i32
    %dma_wait3A_177 = tpu.memref_slice %arg4[%dma_wait3A_164, %dma_wait3A_175, %dma_wait3A_176] : memref<4x4096x1024xf32, #tpu.memory_space<hbm>> -> memref<1x16x1024xf32, #tpu.memory_space<hbm>>
    %dma_wait3A_178 = tpu.memref_squeeze %dma_wait3A_177 : memref<1x16x1024xf32, #tpu.memory_space<hbm>> -> memref<16x1024xf32, #tpu.memory_space<hbm>>
    %dma_wait3A_179 = arith.constant 64 : i32
    %dma_wait3A_180 = arith.constant 0 : i32
    %dma_wait3A_181 = tpu.memref_slice %arg6[%dma_wait3A_179, %dma_wait3A_180] : memref<112x1024xf32, #tpu.memory_space<vmem>> -> memref<16x1024xf32, #tpu.memory_space<vmem>>
    tpu.wait_dma2 semaphore(%dma_wait3A_174 : memref<!tpu.dma_semaphore, #tpu.memory_space<semaphore_mem>>) src(%dma_wait3A_181 : memref<16x1024xf32, #tpu.memory_space<vmem>>) dst(%dma_wait3A_178 : memref<16x1024xf32, #tpu.memory_space<hbm>>)
    %dma_wait3A_182 = arith.constant 0 : i32
    %dma_wait3A_183 = arith.constant 5 : i32
    %dma_wait3A_184 = arith.constant 80 : i32
    %dma_wait3A_185 = arith.constant 0 : i32
    %dma_wait3A_186 = tpu.memref_slice %arg6[%dma_wait3A_184, %dma_wait3A_185] : memref<112x1024xf32, #tpu.memory_space<vmem>> -> memref<16x1024xf32, #tpu.memory_space<vmem>>
    %dma_wait3A_187 = arith.constant 0 : i32
    %dma_wait3A_188 = arith.constant 0 : i32
    %dma_wait3A_189 = tpu.memref_slice %arg4[%dma_wait3A_182, %dma_wait3A_187, %dma_wait3A_188] : memref<4x4096x1024xf32, #tpu.memory_space<hbm>> -> memref<1x16x1024xf32, #tpu.memory_space<hbm>>
    %dma_wait3A_190 = tpu.memref_squeeze %dma_wait3A_189 : memref<1x16x1024xf32, #tpu.memory_space<hbm>> -> memref<16x1024xf32, #tpu.memory_space<hbm>>
    %dma_wait3A_191 = tpu.memref_slice %arg8[%dma_wait3A_183] : memref<7x!tpu.dma_semaphore, #tpu.memory_space<semaphore_mem>> -> memref<1x!tpu.dma_semaphore, #tpu.memory_space<semaphore_mem>>
    %dma_wait3A_192 = tpu.memref_squeeze %dma_wait3A_191 : memref<1x!tpu.dma_semaphore, #tpu.memory_space<semaphore_mem>> -> memref<!tpu.dma_semaphore, #tpu.memory_space<semaphore_mem>>
    %dma_wait3A_193 = arith.constant 0 : i32
    %dma_wait3A_194 = arith.constant 0 : i32
    %dma_wait3A_195 = tpu.memref_slice %arg4[%dma_wait3A_182, %dma_wait3A_193, %dma_wait3A_194] : memref<4x4096x1024xf32, #tpu.memory_space<hbm>> -> memref<1x16x1024xf32, #tpu.memory_space<hbm>>
    %dma_wait3A_196 = tpu.memref_squeeze %dma_wait3A_195 : memref<1x16x1024xf32, #tpu.memory_space<hbm>> -> memref<16x1024xf32, #tpu.memory_space<hbm>>
    %dma_wait3A_197 = arith.constant 80 : i32
    %dma_wait3A_198 = arith.constant 0 : i32
    %dma_wait3A_199 = tpu.memref_slice %arg6[%dma_wait3A_197, %dma_wait3A_198] : memref<112x1024xf32, #tpu.memory_space<vmem>> -> memref<16x1024xf32, #tpu.memory_space<vmem>>
    tpu.wait_dma2 semaphore(%dma_wait3A_192 : memref<!tpu.dma_semaphore, #tpu.memory_space<semaphore_mem>>) src(%dma_wait3A_199 : memref<16x1024xf32, #tpu.memory_space<vmem>>) dst(%dma_wait3A_196 : memref<16x1024xf32, #tpu.memory_space<hbm>>)
    %dma_wait3A_200 = arith.constant 0 : i32
    %dma_wait3A_201 = arith.constant 6 : i32
    %dma_wait3A_202 = arith.constant 96 : i32
    %dma_wait3A_203 = arith.constant 0 : i32
    %dma_wait3A_204 = tpu.memref_slice %arg6[%dma_wait3A_202, %dma_wait3A_203] : memref<112x1024xf32, #tpu.memory_space<vmem>> -> memref<16x1024xf32, #tpu.memory_space<vmem>>
    %dma_wait3A_205 = arith.constant 0 : i32
    %dma_wait3A_206 = arith.constant 0 : i32
    %dma_wait3A_207 = tpu.memref_slice %arg4[%dma_wait3A_200, %dma_wait3A_205, %dma_wait3A_206] : memref<4x4096x1024xf32, #tpu.memory_space<hbm>> -> memref<1x16x1024xf32, #tpu.memory_space<hbm>>
    %dma_wait3A_208 = tpu.memref_squeeze %dma_wait3A_207 : memref<1x16x1024xf32, #tpu.memory_space<hbm>> -> memref<16x1024xf32, #tpu.memory_space<hbm>>
    %dma_wait3A_209 = tpu.memref_slice %arg8[%dma_wait3A_201] : memref<7x!tpu.dma_semaphore, #tpu.memory_space<semaphore_mem>> -> memref<1x!tpu.dma_semaphore, #tpu.memory_space<semaphore_mem>>
    %dma_wait3A_210 = tpu.memref_squeeze %dma_wait3A_209 : memref<1x!tpu.dma_semaphore, #tpu.memory_space<semaphore_mem>> -> memref<!tpu.dma_semaphore, #tpu.memory_space<semaphore_mem>>
    %dma_wait3A_211 = arith.constant 0 : i32
    %dma_wait3A_212 = arith.constant 0 : i32
    %dma_wait3A_213 = tpu.memref_slice %arg4[%dma_wait3A_200, %dma_wait3A_211, %dma_wait3A_212] : memref<4x4096x1024xf32, #tpu.memory_space<hbm>> -> memref<1x16x1024xf32, #tpu.memory_space<hbm>>
    %dma_wait3A_214 = tpu.memref_squeeze %dma_wait3A_213 : memref<1x16x1024xf32, #tpu.memory_space<hbm>> -> memref<16x1024xf32, #tpu.memory_space<hbm>>
    %dma_wait3A_215 = arith.constant 96 : i32
    %dma_wait3A_216 = arith.constant 0 : i32
    %dma_wait3A_217 = tpu.memref_slice %arg6[%dma_wait3A_215, %dma_wait3A_216] : memref<112x1024xf32, #tpu.memory_space<vmem>> -> memref<16x1024xf32, #tpu.memory_space<vmem>>
    tpu.wait_dma2 semaphore(%dma_wait3A_210 : memref<!tpu.dma_semaphore, #tpu.memory_space<semaphore_mem>>) src(%dma_wait3A_217 : memref<16x1024xf32, #tpu.memory_space<vmem>>) dst(%dma_wait3A_214 : memref<16x1024xf32, #tpu.memory_space<hbm>>)
    return
  }
}

</mosaic_0001>

<sc_bundles>
// kernel: kernel.3.cloned.1.call-start
scs
__scs_entry_jumppad:
0x0: {  	(pc) =	sbr.rel $0x88, $3  }
0x1: {  	(tag) =	ssettag $0x0;
	lr =	simm.s32 $0x1  }
0x2: {  	[smem:$0x3F9F] =	sst lr;
	_ =	strace $0xD0000000  }
0x3: {  	_ = 	snop  }
0x4: {  	_ = 	snop  }
0x5: {  	_ = 	snop  }
0x6: {  	_ = 	snop  }
0x7: {  	_ = 	snop  }
__scs_overlays_trampoline_lowered:
0x8: {  	[smem:$0x3FAE] =	sst s0  }
0x9: {  	[smem:$0x3FAF] =	sst s1  }
0xa: {  	[smem:$0x3FB0] =	sst s2  }
0xb: {  	[smem:$0x3FB1] =	sst s3  }
0xc: {  	[smem:$0x3FB2] =	sst s4  }
0xd: {  	[smem:$0x3FB3] =	sst s5  }
0xe: {  	[smem:$0x3FB4] =	sst s6  }
0xf: {  	[smem:$0x3FB5] =	sst s7  }
0x10: {  	[smem:$0x3FB6] =	sst s8  }
0x11: {  	[smem:$0x3FB7] =	sst s9;
	s0 =	simm.s32 @!p0 $0x0  }
0x12: {  	s1 =	sld [smem:$0x3F9D];
	s0 =	simm.s32 @p0 $0x1  }
0x13: {  	[smem:$0x3FB8] =	sst s0;
	s0 =	simm.s32 @!p1 $0x0  }
0x14: {  	s2 =	sld [smem:$0x3F9C];
	s0 =	simm.s32 @p1 $0x1  }
0x15: {  	[smem:$0x3FB9] =	sst s0;
	s0 =	simm.s32 @!p2 $0x0  }
0x16: {  	s3 =	sld [smem:$0x3FDB];
	s0 =	simm.s32 @p2 $0x1  }
0x17: {  	s4 =	simm.s32 $0x1BF5;
	[smem:$0x3FBB] =	sst s0  }
0x18: {  	s0 =	sld [smem:$0x3F9E];
	_ =	swait.ge [sflag:s4], $0x0  }
0x19: {  	s7 =	sld [smem:$0x3F9F]  }
0x1a: {  	s8 =	sadd.s32 $0xFFFFE003, lr  }
0x1b: {  	s9 =	sadd.s32 $0xFFFFFEF7, lr;
	s5 =	simm.s32 $0xFFFFFFFF;
	p2 =	slt.u32 s8, $0xFFFFF086  }
0x1c: {  	p1 =	slt.u32 s9, $0xF7A;
	s5 =	simm.s32 @!p2 $0x0  }
0x1d: {  	s5 =	simm.s32 @p1 $0x1;
	p0 =	seq.s32 s7, s2  }
0x1e: {  	s7 =	smul.u32 @!p0 $0xF7A, s2;
	p2 =	seq.s32 @!p0 s5, $0x0  }
0x1f: {  	s9 =	smul.u32 $0xF7A, s1;
	s8 =	simm.s32 @!p0 $0x1BF5;
	p2 =	por !p2, p0  }
0x20: {  	[sflag:s8] =	ssyncset.s32 @!p0 $0xFFFFF086;
	s6 =	sadd.s32 @!p0 s3, s7;
	s7 =	simm.s32 @!p0 $0x108  }
0x21: {  	s3 =	sadd.s32 s3, s9;
	s6 =	sadd.s32 @!p0 $0x88, s6;
	s7 =	simm.s32 @p2 $0x1082  }
0x22: {  	[simem:s7], [sflag:s8] =	dma.local @!p0 [hbm:s6], $0xF7A  }
0x23: {  	s9 =	sor.u32 $0xD0000000, s2;
	s6 =	simm.s32 $0x108;
	_ =	swait.ge @!p0 [sflag:s8], $0x0  }
0x24: {  	s3 =	sadd.s32 $0x88, s3;
	s6 =	simm.s32 @!p1 $0x1082;
	[sflag:s4] =	ssyncset.s32 $0xFFFFF086  }
0x25: {  	[simem:s6], [sflag:s4] =	dma.local [hbm:s3], $0xF7A  }
0x26: {  	[smem:$0x3F9F] =	sst s1;
	(tag) =	ssettag s2;
	_ =	strace s9  }
0x27: {  	s1 =	sld [smem:$0x3FAF]  }
0x28: {  	s2 =	sld [smem:$0x3FB0]  }
0x29: {  	s4 =	sld [smem:$0x3FB2]  }
0x2a: {  	p0 =	seq.s32 s5, $0x0;
	s5 =	sld [smem:$0x3FB3]  }
0x2b: {  	s6 =	sld [smem:$0x3FB4]  }
0x2c: {  	s7 =	sld [smem:$0x3FB5]  }
0x2d: {  	s3 =	simm.s32 $0x108;
	s8 =	sld [smem:$0x3FB6]  }
0x2e: {  	s3 =	simm.s32 @!p0 $0x1082;
	s9 =	sld [smem:$0x3FB7]  }
0x2f: {  	lr =	sadd.s32 s0, s3;
	s0 =	sld [smem:$0x3FAE]  }
0x30: {  	s3 =	sld [smem:$0x3FB1]  }
0x31: {  	[smem:$0x3FBA] =	sst s10  }
0x32: {  	s10 =	sld [smem:$0x3FB8];
	_ =	sdelay $0x3  }
0x33: {  	p0 =	seq.s32 s10, $0x1;
	s10 =	sld [smem:$0x3FBA];
	_ =	sdelay $0x3  }
0x34: {  	[smem:$0x3FBA] =	sst s10  }
0x35: {  	s10 =	sld [smem:$0x3FB9];
	_ =	sdelay $0x3  }
0x36: {  	p1 =	seq.s32 s10, $0x1;
	s10 =	sld [smem:$0x3FBA];
	_ =	sdelay $0x3  }
0x37: {  	[smem:$0x3FBA] =	sst s10  }
0x38: {  	s10 =	sld [smem:$0x3FBB]  }
0x39: {  	_ = 	snop;
	(pc) =	sbr.ind lr, $3  }
0x3a: {  	_ = 	snop  }
0x3b: {  	_ = 	snop  }
0x3c: {  	p2 =	seq.s32 s10, $0x1;
	s10 =	sld [smem:$0x3FBA]  }
0x3d: {  	_ =	shalt  }
0x3e: {  	_ =	shalt  }
0x3f: {  	_ =	shalt  }
0x40: {  	_ =	shalt  }
0x41: {  	_ =	shalt  }
0x42: {  	_ =	shalt  }
0x43: {  	_ =	shalt  }
0x44: {  	_ =	shalt  }
0x45: {  	_ =	shalt  }
0x46: {  	_ =	shalt  }
0x47: {  	_ =	shalt  }
0x48: {  	_ =	shalt  }
0x49: {  	_ =	shalt  }
0x4a: {  	_ =	shalt  }
0x4b: {  	_ =	shalt  }
0x4c: {  	_ =	shalt  }
0x4d: {  	_ =	shalt  }
0x4e: {  	_ =	shalt  }
0x4f: {  	_ =	shalt  }
0x50: {  	_ =	shalt  }
0x51: {  	_ =	shalt  }
0x52: {  	_ =	shalt  }
0x53: {  	_ =	shalt  }
0x54: {  	_ =	shalt  }
0x55: {  	_ =	shalt  }
0x56: {  	_ =	shalt  }
0x57: {  	_ =	shalt  }
0x58: {  	_ =	shalt  }
0x59: {  	_ =	shalt  }
0x5a: {  	_ =	shalt  }
0x5b: {  	_ =	shalt  }
0x5c: {  	_ =	shalt  }
0x5d: {  	_ =	shalt  }
0x5e: {  	_ =	shalt  }
0x5f: {  	_ =	shalt  }
0x60: {  	_ =	shalt  }
0x61: {  	_ =	shalt  }
0x62: {  	_ =	shalt  }
0x63: {  	_ =	shalt  }
0x64: {  	_ =	shalt  }
0x65: {  	_ =	shalt  }
0x66: {  	_ =	shalt  }
0x67: {  	_ =	shalt  }
0x68: {  	_ =	shalt  }
0x69: {  	_ =	shalt  }
0x6a: {  	_ =	shalt  }
0x6b: {  	_ =	shalt  }
0x6c: {  	_ =	shalt  }
0x6d: {  	_ =	shalt  }
0x6e: {  	_ =	shalt  }
0x6f: {  	_ =	shalt  }
0x70: {  	_ =	shalt  }
0x71: {  	_ =	shalt  }
0x72: {  	_ =	shalt  }
0x73: {  	_ =	shalt  }
0x74: {  	_ =	shalt  }
0x75: {  	_ =	shalt  }
0x76: {  	_ =	shalt  }
0x77: {  	_ =	shalt  }
0x78: {  	_ =	shalt  }
0x79: {  	_ =	shalt  }
0x7a: {  	_ =	shalt  }
0x7b: {  	_ =	shalt  }
0x7c: {  	_ =	shalt  }
0x7d: {  	_ =	shalt  }
0x7e: {  	_ =	shalt  }
0x7f: {  	_ =	shalt  }
0x80: {  	_ =	shalt  }
0x81: {  	_ =	shalt  }
0x82: {  	_ =	shalt  }
0x83: {  	_ =	shalt  }
0x84: {  	_ =	shalt  }
0x85: {  	_ =	shalt  }
0x86: {  	_ =	shalt  }
0x87: {  	_ =	shalt  }
.Lfunc_end0:
.L_simem_size_0:
called_computation_lowered:
.L_overlay_start_0:
0x88: {  	s2 =	sld [smem:$0x3FD9]  }
0x89: {  	s3 =	sld [smem:$0x3FFE];
	_ =	sdelay $0x1  }
0x8a: {  	s1 =	srdreg.scid  }
0x8b: {  	s0 =	sand.u32 $0x1, s1  }
0x8c: {  	s18 =	sshll.u32 s0, $0xA;
	s2 =	sadd.s32 s3, s2  }
0x8d: {  	s2 =	sadd.s32 s2, s18  }
0x8e: {  	[smem:$0x3FC6] =	sst s2  }
0x8f: {  	_ = 	snop  }
0x90: {  	s2 =	sld [smem:$0x3FC9]  }
0x91: {  	s19 =	sld [smem:$0x3FC8]  }
0x92: {  	s4 =	sld [smem:$0x3FD0];
	(tm) =	ssettm $0x1  }
0x93: {  	s5 =	sld [smem:$0x3FFB];
	_ =	sdelay $0x3  }
0x94: {  	_ =	strace s5  }
0x95: {  	s5 =	sld [smem:$0x3FFC];
	_ =	sdelay $0x3  }
0x96: {  	_ =	strace s5  }
0x97: {  	s5 =	sld [smem:$0x3FFD];
	_ =	sdelay $0x3  }
0x98: {  	_ =	strace s5  }
0x99: {  	_ =	strace $0x8FFFFFFF  }
0x9a: {  	s20 =	sld [smem:$0x3FDB];
	_ =	sdelay $0x1  }
0x9b: {  	s6 =	simm.s32 $_scs_section_size  }
0x9c: {  	s7 =	simm.s32 $_size__tile_overlayer_lowered;
	s8 =	simm.s32 $_tile_overlayer_lowered  }
0x9d: {  	s23 =	simm.s32 $0x1BFF;
	s22 =	sshll.u32 s8, $0x1;
	s5 =	sadd.s32 s6, s20  }
0x9e: {  	s9 =	simm.s32 $0x0;
	s21 =	sshll.u32 s7, $0x1;
	s7 =	sadd.s32 s22, s5  }
0x9f: {  	[timem:s9], [sflag:s23] =	dma.local [hbm:s7], s21  }
0xa0: {  	_ =	swait.ge [sflag:s23], s21  }
0xa1: {  	s6 =	ssub.s32 $0x0, s21;
	[sflag:s23] =	ssyncset.done $0x0  }
0xa2: {  	[sflag:s23] =	ssyncadd.s32 s6;
	_ =	sdelay $0x1  }
0xa3: {  	s24 =	simm.s32 $0x1B8B  }
0xa4: {  	_ =	swait.ge [sflag:s24], $0x1  }
0xa5: {  	[sflag:s24] =	ssyncset.done $0x0  }
0xa6: {  	s25 =	simm.s32 $0x1B8E;
	[sflag:s24] =	ssyncadd.s32 $0xFFFFFFFF  }
0xa7: {  	s26 =	simm.s32 $execute0_lowered;
	[smem:$0x3FD2] =	sst s25  }
0xa8: {  	s6 =	sshll.u32 s26, $0x1;
	_ =	strace $0x80000046;
	[dreg:$0x1] =	wrdreg $0xFFFFFFFF  }
0xa9: {  	s28 =	simm.s32 $_size_execute0_lowered;
	s5 =	sadd.s32 s5, s6;
	[dreg:$0x0] =	wrdreg $0x0  }
0xaa: {  	s6 =	sshll.u32 s28, $0x1;
	[dreg:$0x2] =	wrdreg s5  }
0xab: {  	[dreg:$0x3] =	wrdreg s6  }
0xac: {  	[dreg:$0x4] =	wrdreg $0xC0  }
0xad: {  	_ =	task [dreg:s9], $0x5FFFF  }
0xae: {  	[dreg:$0x1] =	wrdreg $0xFFFFFFFF  }
0xaf: {  	[dreg:$0x0] =	wrdreg $0x60  }
0xb0: {  	[dreg:$0x2] =	wrdreg s19  }
0xb1: {  	[dreg:$0x3] =	wrdreg s2  }
0xb2: {  	[dreg:$0x4] =	wrdreg s4  }
0xb3: {  	[dreg:$0x5] =	wrdreg $0x9  }
0xb4: {  	_ =	task.clear_ibuf [dreg:s9], $0x6FFFF;
	_ =	strace $0x90000046  }
0xb5: {  	s29 =	simm.s32 $0x9;
	_ =	strace $0x80000048  }
0xb6: {  	_ =	swait.ge [sflag:s29], $0x1  }
0xb7: {  	[sflag:s29] =	ssyncadd.s32 $0xFFFFFFFF  }
0xb8: {  	_ =	strace $0x90000048  }
0xb9: {  	_ =	sfence  }
0xba: {  	s30 =	sld [smem:$0x0];
	_ =	sdelay $0x2  }
0xbb: {  	s31 =	sshll.u32 s1, $0xD;
	s1 =	sshrl.u32 s1, $0x2  }
0xbc: {  	s3 =	sand.u32 $0x4000, s31;
	s1 =	sadd.s32 s1, s30  }
0xbd: {  	s0 =	sor.u32 s3, s0;
	s1 =	sshll.u32 s1, $0x11  }
0xbe: {  	s0 =	sor.u32 s1, s0  }
0xbf: {  	s0 =	sadd.s32 $0x8F2B, s0  }
0xc0: {  	[sflag:s0] =	ssyncadd.remote.s32 $0x1  }
0xc1: {  	_ =	sfence.sel $0xFFFF  }
0xc2: {  	[dreg:$0x0] =	wrdreg $0xFFFFFFFF;
	(pc) =	sbr.abs _section_cstart, $3  }
0xc3: {  	[dreg:$0x1] =	wrdreg $0xFFFFFFFF  }
0xc4: {  	_ =	task.clear_ibuf [dreg:s9], $0x2FFFF;
	_ =	strace $0x9FFFFFFF  }
0xc5: {  	(tm) =	ssettm $0x7FFFFFFF  }
tec
execute0_lowered:
.L_overlay_start_1:
0x0: {  	(tag) =	ssettag $0x1  }
0x1: {  	s1 =	rddreg [dreg:$0x0]  }
0x2: {  	s0 =	rddreg [dreg:$0x1]  }
0x3: {  	s2 =	rddreg [dreg:$0x2]  }
0x4: {  	s3 =	simm.s32 $0x0;
	s6 =	stileid.u32;
	s4 =	srdreg.scid  }
0x5: {  	s11 =	simm.s32 $0x200;
	s12 =	simm.s32 $0xF;
	s31 =	simm.s32 $0x13A00  }
0x6: {  	s13 =	simm.s32 $0xB;
	s14 =	simm.s32 $0xC;
	s15 =	simm.s32 $0xD  }
0x7: {  	s16 =	simm.s32 $0xE;
	s17 =	simm.s32 $0x0;
	[smem:$0x7FF] =	sst s3  }
0x8: {  	s5 =	sshll.u32 s6, $0x1;
	s4 =	sand.u32 $0x1, s4;
	s6 =	sshrl.u32 s6, $0x2  }
0x9: {  	_ =	strace $0x80000047;
	s5 =	sand.u32 $0x6, s5;
	s7 =	ssub.s32 $0x2, s4  }
0xa: {  	s26 =	sshll.u32 s6, $0x4;
	s30 =	sshll.u32 s6, $0x13;
	s6 =	sadd.s32 $0x200, s1  }
0xb: {  	s4 =	sor.u32 s4, s5;
	s8 =	sshrl.u32 s7, $0x1;
	s0 =	sadd.s32 s0, s26  }
0xc: {  	s5 =	sadd.s32 $0x100, s1;
	s9 =	sshll.u32 s4, $0x8;
	s10 =	ssub.s32 s7, s8  }
0xd: {  	v2 =	vlaneseq.u32;
	s28 =	sshll.u32 s4, $0x10;
	s7 =	sadd.s32 $0x300, s1;
	s4 =	sadd.s32 s9, s0  }
0xe: {  	vm0 =	vmmov $0xffff;
	v1 =	vshrl.u32 v2, $0x3;
	s29 =	sadd.s32 s28, s2;
	s9 =	smax.u32 s10, $0x1;
	s0 =	simm.s32 $0x8  }
0xf: {  	v0 =	vand.u32 $0x7, v2;
	v2 =	vor.u32 $0x8, v2;
	v1 =	vmul.u32 $0x8, v1;
	s2 =	simm.s32 $0x9;
	s10 =	simm.s32 $0xA;
	s8 =	sadd.s32 s29, s30  }
.LBB2_1:
0x10: {  	s18 =	simm.s32 $0x80  }
0x11: {  	[tilespmem:s3], [sflag:$0xF] =	stream.strided.gather [hbm4b:s4+s18], $0x200, s11, s18, $0x38;
	[tilespmem:$0x1C200] =	vst v63  }
0x12: {  	_ =	swait.ge [sflag:s12], $0x200  }
0x13: {  	[sflag:s12] =	ssyncset.done $0x0  }
0x14: {  	[sflag:s12] =	ssyncadd.s32 $0xFFFFFE00  }
0x15: {  	v3 =	vld [tilespmem:$0x0];
	_ =	sdelay $0x4  }
0x16: {  	v4 =	vshll.u32 v3, $0x3  }
0x17: {  	v3 =	vand.u32 $0x7, v3;
	v4 =	vand.u32 $0xFFFFFFC0, v4  }
0x18: {  	v3 =	vor.u32 v3, v4  }
0x19: {  	v4 =	vperm.xlane v3, v0;
	_ =	sdelay $0x1  }
0x1a: {  	v4 =	vadd.s32 v1, v4;
	_ =	sdelay $0x4  }
0x1b: {  	[tilespmem:s11], [sflag:$0x1] =	stream.indirect_vreg.gather [hbm4b:s1+s3], $0x80, v4, vm0, $0xb8;
	[tilespmem:$0x1C200] =	vst v63  }
0x1c: {  	s25 =	simm.s32 $0xA00;
	v3 =	vperm.xlane v3, v2  }
0x1d: {  	[tilespmem:s25], [sflag:$0x1] =	stream.indirect_vreg.gather [hbm4b:s5+s3], $0x80, v4, vm0, $0xb8;
	[tilespmem:$0x1C200] =	vst v63  }
0x1e: {  	s26 =	simm.s32 $0x1200;
	v3 =	vadd.s32 v1, v3  }
0x1f: {  	[tilespmem:s26], [sflag:$0x1] =	stream.indirect_vreg.gather [hbm4b:s6+s3], $0x80, v4, vm0, $0xb8;
	[tilespmem:$0x1C200] =	vst v63  }
0x20: {  	s28 =	simm.s32 $0x1A00  }
0x21: {  	[tilespmem:s28], [sflag:$0x1] =	stream.indirect_vreg.gather [hbm4b:s7+s3], $0x80, v4, vm0, $0xb8;
	[tilespmem:$0x1C200] =	vst v63  }
0x22: {  	s29 =	simm.s32 $0x2200  }
0x23: {  	[tilespmem:s29], [sflag:$0x1] =	stream.indirect_vreg.gather [hbm4b:s1+s3], $0x80, v3, vm0, $0xb8;
	[tilespmem:$0x1C200] =	vst v63  }
0x24: {  	s30 =	simm.s32 $0x2A00  }
0x25: {  	[tilespmem:s30], [sflag:$0x1] =	stream.indirect_vreg.gather [hbm4b:s5+s3], $0x80, v3, vm0, $0xb8;
	[tilespmem:$0x1C200] =	vst v63  }
0x26: {  	s19 =	simm.s32 $0x3200  }
0x27: {  	[tilespmem:s19], [sflag:$0x1] =	stream.indirect_vreg.gather [hbm4b:s6+s3], $0x80, v3, vm0, $0xb8;
	[tilespmem:$0x1C200] =	vst v63  }
0x28: {  	s20 =	simm.s32 $0x3A00  }
0x29: {  	[tilespmem:s20], [sflag:$0x1] =	stream.indirect_vreg.gather [hbm4b:s7+s3], $0x80, v3, vm0, $0xb8;
	[tilespmem:$0x1C200] =	vst v63  }
0x2a: {  	v3 =	vld [tilespmem:$0x10];
	_ =	sdelay $0x4  }
0x2b: {  	v60 =	vshll.u32 v3, $0x3  }
0x2c: {  	v3 =	vand.u32 $0x7, v3;
	v4 =	vand.u32 $0xFFFFFFC0, v60  }
0x2d: {  	v3 =	vor.u32 v3, v4  }
0x2e: {  	v4 =	vperm.xlane v3, v0;
	_ =	sdelay $0x1  }
0x2f: {  	v4 =	vadd.s32 v1, v4;
	_ =	sdelay $0x3  }
0x30: {  	s21 =	simm.s32 $0x4200  }
0x31: {  	[tilespmem:s21], [sflag:$0x2] =	stream.indirect_vreg.gather [hbm4b:s1+s3], $0x80, v4, vm0, $0xb8;
	[tilespmem:$0x1C200] =	vst v63  }
0x32: {  	s22 =	simm.s32 $0x4A00;
	v3 =	vperm.xlane v3, v2  }
0x33: {  	[tilespmem:s22], [sflag:$0x2] =	stream.indirect_vreg.gather [hbm4b:s5+s3], $0x80, v4, vm0, $0xb8;
	[tilespmem:$0x1C200] =	vst v63  }
0x34: {  	s23 =	simm.s32 $0x5200;
	v3 =	vadd.s32 v1, v3  }
0x35: {  	[tilespmem:s23], [sflag:$0x2] =	stream.indirect_vreg.gather [hbm4b:s6+s3], $0x80, v4, vm0, $0xb8;
	[tilespmem:$0x1C200] =	vst v63  }
0x36: {  	s24 =	simm.s32 $0x5A00  }
0x37: {  	[tilespmem:s24], [sflag:$0x2] =	stream.indirect_vreg.gather [hbm4b:s7+s3], $0x80, v4, vm0, $0xb8;
	[tilespmem:$0x1C200] =	vst v63  }
0x38: {  	s25 =	simm.s32 $0x6200  }
0x39: {  	[tilespmem:s25], [sflag:$0x2] =	stream.indirect_vreg.gather [hbm4b:s1+s3], $0x80, v3, vm0, $0xb8;
	[tilespmem:$0x1C200] =	vst v63  }
0x3a: {  	s26 =	simm.s32 $0x6A00  }
0x3b: {  	[tilespmem:s26], [sflag:$0x2] =	stream.indirect_vreg.gather [hbm4b:s5+s3], $0x80, v3, vm0, $0xb8;
	[tilespmem:$0x1C200] =	vst v63  }
0x3c: {  	s28 =	simm.s32 $0x7200  }
0x3d: {  	[tilespmem:s28], [sflag:$0x2] =	stream.indirect_vreg.gather [hbm4b:s6+s3], $0x80, v3, vm0, $0xb8;
	[tilespmem:$0x1C200] =	vst v63  }
0x3e: {  	s29 =	simm.s32 $0x7A00  }
0x3f: {  	[tilespmem:s29], [sflag:$0x2] =	stream.indirect_vreg.gather [hbm4b:s7+s3], $0x80, v3, vm0, $0xb8;
	[tilespmem:$0x1C200] =	vst v63  }
0x40: {  	v3 =	vld [tilespmem:$0x20];
	_ =	sdelay $0x4  }
0x41: {  	v61 =	vshll.u32 v3, $0x3  }
0x42: {  	v3 =	vand.u32 $0x7, v3;
	v4 =	vand.u32 $0xFFFFFFC0, v61  }
0x43: {  	v3 =	vor.u32 v3, v4  }
0x44: {  	v4 =	vperm.xlane v3, v0;
	_ =	sdelay $0x1  }
0x45: {  	v4 =	vadd.s32 v1, v4;
	_ =	sdelay $0x3  }
0x46: {  	s30 =	simm.s32 $0x8200  }
0x47: {  	[tilespmem:s30], [sflag:$0x3] =	stream.indirect_vreg.gather [hbm4b:s1+s3], $0x80, v4, vm0, $0xb8;
	[tilespmem:$0x1C200] =	vst v63  }
0x48: {  	s19 =	simm.s32 $0x8A00;
	v3 =	vperm.xlane v3, v2  }
0x49: {  	[tilespmem:s19], [sflag:$0x3] =	stream.indirect_vreg.gather [hbm4b:s5+s3], $0x80, v4, vm0, $0xb8;
	[tilespmem:$0x1C200] =	vst v63  }
0x4a: {  	s20 =	simm.s32 $0x9200;
	v3 =	vadd.s32 v1, v3  }
0x4b: {  	[tilespmem:s20], [sflag:$0x3] =	stream.indirect_vreg.gather [hbm4b:s6+s3], $0x80, v4, vm0, $0xb8;
	[tilespmem:$0x1C200] =	vst v63  }
0x4c: {  	s21 =	simm.s32 $0x9A00  }
0x4d: {  	[tilespmem:s21], [sflag:$0x3] =	stream.indirect_vreg.gather [hbm4b:s7+s3], $0x80, v4, vm0, $0xb8;
	[tilespmem:$0x1C200] =	vst v63  }
0x4e: {  	s22 =	simm.s32 $0xA200  }
0x4f: {  	[tilespmem:s22], [sflag:$0x3] =	stream.indirect_vreg.gather [hbm4b:s1+s3], $0x80, v3, vm0, $0xb8;
	[tilespmem:$0x1C200] =	vst v63  }
0x50: {  	s23 =	simm.s32 $0xAA00  }
0x51: {  	[tilespmem:s23], [sflag:$0x3] =	stream.indirect_vreg.gather [hbm4b:s5+s3], $0x80, v3, vm0, $0xb8;
	[tilespmem:$0x1C200] =	vst v63  }
0x52: {  	s24 =	simm.s32 $0xB200  }
0x53: {  	[tilespmem:s24], [sflag:$0x3] =	stream.indirect_vreg.gather [hbm4b:s6+s3], $0x80, v3, vm0, $0xb8;
	[tilespmem:$0x1C200] =	vst v63  }
0x54: {  	s25 =	simm.s32 $0xBA00  }
0x55: {  	[tilespmem:s25], [sflag:$0x3] =	stream.indirect_vreg.gather [hbm4b:s7+s3], $0x80, v3, vm0, $0xb8;
	[tilespmem:$0x1C200] =	vst v63  }
0x56: {  	v3 =	vld [tilespmem:$0x30];
	_ =	sdelay $0x4  }
0x57: {  	v62 =	vshll.u32 v3, $0x3  }
0x58: {  	v3 =	vand.u32 $0x7, v3;
	v4 =	vand.u32 $0xFFFFFFC0, v62  }
0x59: {  	v3 =	vor.u32 v3, v4  }
0x5a: {  	v4 =	vperm.xlane v3, v0;
	_ =	sdelay $0x1  }
0x5b: {  	v4 =	vadd.s32 v1, v4;
	_ =	sdelay $0x3  }
0x5c: {  	s26 =	simm.s32 $0xC200  }
0x5d: {  	[tilespmem:s26], [sflag:$0x4] =	stream.indirect_vreg.gather [hbm4b:s1+s3], $0x80, v4, vm0, $0xb8;
	[tilespmem:$0x1C200] =	vst v63  }
0x5e: {  	s28 =	simm.s32 $0xCA00;
	v3 =	vperm.xlane v3, v2  }
0x5f: {  	[tilespmem:s28], [sflag:$0x4] =	stream.indirect_vreg.gather [hbm4b:s5+s3], $0x80, v4, vm0, $0xb8;
	[tilespmem:$0x1C200] =	vst v63  }
0x60: {  	s29 =	simm.s32 $0xD200;
	v3 =	vadd.s32 v1, v3  }
0x61: {  	[tilespmem:s29], [sflag:$0x4] =	stream.indirect_vreg.gather [hbm4b:s6+s3], $0x80, v4, vm0, $0xb8;
	[tilespmem:$0x1C200] =	vst v63  }
0x62: {  	s30 =	simm.s32 $0xDA00  }
0x63: {  	[tilespmem:s30], [sflag:$0x4] =	stream.indirect_vreg.gather [hbm4b:s7+s3], $0x80, v4, vm0, $0xb8;
	[tilespmem:$0x1C200] =	vst v63  }
0x64: {  	s19 =	simm.s32 $0xE200  }
0x65: {  	[tilespmem:s19], [sflag:$0x4] =	stream.indirect_vreg.gather [hbm4b:s1+s3], $0x80, v3, vm0, $0xb8;
	[tilespmem:$0x1C200] =	vst v63  }
0x66: {  	s20 =	simm.s32 $0xEA00  }
0x67: {  	[tilespmem:s20], [sflag:$0x4] =	stream.indirect_vreg.gather [hbm4b:s5+s3], $0x80, v3, vm0, $0xb8;
	[tilespmem:$0x1C200] =	vst v63  }
0x68: {  	s21 =	simm.s32 $0xF200  }
0x69: {  	[tilespmem:s21], [sflag:$0x4] =	stream.indirect_vreg.gather [hbm4b:s6+s3], $0x80, v3, vm0, $0xb8;
	[tilespmem:$0x1C200] =	vst v63  }
0x6a: {  	s22 =	simm.s32 $0xFA00  }
0x6b: {  	[tilespmem:s22], [sflag:$0x4] =	stream.indirect_vreg.gather [hbm4b:s7+s3], $0x80, v3, vm0, $0xb8;
	[tilespmem:$0x1C200] =	vst v63  }
0x6c: {  	v3 =	vld [tilespmem:$0x40];
	_ =	sdelay $0x4  }
0x6d: {  	v63 =	vshll.u32 v3, $0x3  }
0x6e: {  	v3 =	vand.u32 $0x7, v3;
	v4 =	vand.u32 $0xFFFFFFC0, v63  }
0x6f: {  	v3 =	vor.u32 v3, v4  }
0x70: {  	v4 =	vperm.xlane v3, v0;
	_ =	sdelay $0x1  }
0x71: {  	v4 =	vadd.s32 v1, v4;
	_ =	sdelay $0x3  }
0x72: {  	s23 =	simm.s32 $0x10200  }
0x73: {  	[tilespmem:s23], [sflag:$0x5] =	stream.indirect_vreg.gather [hbm4b:s1+s3], $0x80, v4, vm0, $0xb8;
	[tilespmem:$0x1C200] =	vst v63  }
0x74: {  	s24 =	simm.s32 $0x10A00;
	v3 =	vperm.xlane v3, v2  }
0x75: {  	[tilespmem:s24], [sflag:$0x5] =	stream.indirect_vreg.gather [hbm4b:s5+s3], $0x80, v4, vm0, $0xb8;
	[tilespmem:$0x1C200] =	vst v63  }
0x76: {  	s25 =	simm.s32 $0x11200;
	v3 =	vadd.s32 v1, v3  }
0x77: {  	[tilespmem:s25], [sflag:$0x5] =	stream.indirect_vreg.gather [hbm4b:s6+s3], $0x80, v4, vm0, $0xb8;
	[tilespmem:$0x1C200] =	vst v63  }
0x78: {  	s26 =	simm.s32 $0x11A00  }
0x79: {  	[tilespmem:s26], [sflag:$0x5] =	stream.indirect_vreg.gather [hbm4b:s7+s3], $0x80, v4, vm0, $0xb8;
	[tilespmem:$0x1C200] =	vst v63  }
0x7a: {  	s28 =	simm.s32 $0x12200  }
0x7b: {  	[tilespmem:s28], [sflag:$0x5] =	stream.indirect_vreg.gather [hbm4b:s1+s3], $0x80, v3, vm0, $0xb8;
	[tilespmem:$0x1C200] =	vst v63  }
0x7c: {  	s29 =	simm.s32 $0x12A00  }
0x7d: {  	[tilespmem:s29], [sflag:$0x5] =	stream.indirect_vreg.gather [hbm4b:s5+s3], $0x80, v3, vm0, $0xb8;
	[tilespmem:$0x1C200] =	vst v63  }
0x7e: {  	s30 =	simm.s32 $0x13200  }
0x7f: {  	[tilespmem:s30], [sflag:$0x5] =	stream.indirect_vreg.gather [hbm4b:s6+s3], $0x80, v3, vm0, $0xb8;
	[tilespmem:$0x1C200] =	vst v63  }
0x80: {  	s18 =	simm.s32 $0x0;
	s19 =	simm.s32 $0x0  }
0x81: {  	[tilespmem:s31], [sflag:$0x5] =	stream.indirect_vreg.gather [hbm4b:s7+s3], $0x80, v3, vm0, $0xb8;
	[tilespmem:$0x1C200] =	vst v63  }
.LBB2_2:
0x82: {  	s20 =	sadd.s32 $0x5, s19;
	p0 =	sgt.u32 s19, $0x1A  }
0x83: {  	s21 =	smul.u32 @!p0 $0x25, s20;
	_ =	sdelay $0x1  }
0x84: {  	s21 =	sshrl.u32 @!p0 s21, $0x8  }
0x85: {  	s22 =	ssub.s32 @!p0 s20, s21  }
0x86: {  	s22 =	sand.u32 @!p0 $0xFE, s22  }
0x87: {  	s22 =	sshrl.u32 @!p0 s22, $0x1  }
0x88: {  	s21 =	sadd.s32 @!p0 s21, s22  }
0x89: {  	s21 =	sand.u32 @!p0 $0xFC, s21  }
0x8a: {  	s21 =	sshrl.u32 @!p0 s21, $0x2  }
0x8b: {  	s21 =	smul.u32 @!p0 $0x7, s21;
	_ =	sdelay $0x1  }
0x8c: {  	p1 =	slt.u32 @!p0 s19, $0x2;
	s21 =	ssub.s32 @!p0 s20, s21  }
0x8d: {  	p1 =	por p1, p0;
	s21 =	sand.u32 @!p0 $0xFF, s21  }
0x8e: {  	s22 =	sadd.s32 @!p1 $0x8, s21  }
0x8f: {  	_ =	swait.ge @!p1 [sflag:s22], $0x4000  }
0x90: {  	s20 =	sshll.u32 @!p0 s20, $0x4;
	[sflag:s22] =	ssyncset.done @!p1 $0x0  }
0x91: {  	s20 =	sand.u32 @!p0 $0x3FFFFFF0, s20;
	[sflag:s22] =	ssyncadd.s32 @!p1 $0xFFFFC000  }
0x92: {  	v3 =	vld @!p0 [tilespmem:s20+$0x0];
	_ =	sdelay $0x4  }
0x93: {  	v4 =	vshll.u32 @!p0 v3, $0x3  }
0x94: {  	v5 =	vlaneseq.u32 @!p0;
	v3 =	vand.u32 @!p0 $0x7, v3;
	v4 =	vand.u32 @!p0 $0xFFFFFFC0, v4  }
0x95: {  	v6 =	vshrl.u32 @!p0 v5, $0x3;
	v3 =	vor.u32 @!p0 v3, v4;
	v4 =	vand.u32 @!p0 $0x7, v5  }
0x96: {  	v6 =	vmul.u32 @!p0 $0x8, v6;
	v4 =	vperm.xlane @!p0 v3, v4  }
0x97: {  	s28 =	smul.u32 $0x25, s19  }
0x98: {  	v4 =	vadd.s32 @!p0 v6, v4  }
0x99: {  	s20 =	sshrl.u32 s28, $0x8  }
0x9a: {  	s29 =	ssub.s32 s19, s20  }
0x9b: {  	s25 =	simm.s32 @!p0 $0x0;
	s23 =	sshll.u32 @!p0 s21, $0xE;
	s22 =	sand.u32 $0xFE, s29  }
0x9c: {  	vm1 =	vmmov @!p0 $0xffff;
	s21 =	sadd.s32 @!p0 $0x1, s21;
	s24 =	sor.u32 @!p0 $0x200, s23;
	s22 =	sshrl.u32 s22, $0x1  }
0x9d: {  	v5 =	vor.u32 @!p0 $0x8, v5;
	[tilespmem:s24], [sflag:s21] =	stream.indirect_vreg.gather @!p0 [hbm4b:s1+s25], $0x80, v4, vm1, $0xb8;
	[tilespmem:$0x1C200] =	vst v63  }
0x9e: {  	s20 =	sadd.s32 s20, s22;
	v3 =	vperm.xlane @!p0 v3, v5;
	s24 =	sor.u32 @!p0 $0xA00, s23  }
0x9f: {  	[tilespmem:s24], [sflag:s21] =	stream.indirect_vreg.gather @!p0 [hbm4b:s5+s25], $0x80, v4, vm1, $0xb8;
	[tilespmem:$0x1C200] =	vst v63  }
0xa0: {  	s30 =	smulhi.u32 $0x24924925, s19;
	s22 =	sor.u32 @!p0 $0x1200, s23;
	s20 =	sand.u32 $0xFC, s20;
	v3 =	vadd.s32 @!p0 v6, v3  }
0xa1: {  	[tilespmem:s22], [sflag:s21] =	stream.indirect_vreg.gather @!p0 [hbm4b:s6+s25], $0x80, v4, vm1, $0xb8;
	[tilespmem:$0x1C200] =	vst v63  }
0xa2: {  	s26 =	sor.u32 @!p0 $0x1A00, s23;
	s28 =	ssub.s32 s19, s30;
	s20 =	sshrl.u32 s20, $0x2  }
0xa3: {  	[tilespmem:s26], [sflag:s21] =	stream.indirect_vreg.gather @!p0 [hbm4b:s7+s25], $0x80, v4, vm1, $0xb8;
	[tilespmem:$0x1C200] =	vst v63  }
0xa4: {  	s20 =	smul.u32 $0x7, s20;
	s22 =	sshrl.u32 s28, $0x1;
	s26 =	sor.u32 @!p0 $0x2200, s23  }
0xa5: {  	[tilespmem:s26], [sflag:s21] =	stream.indirect_vreg.gather @!p0 [hbm4b:s1+s25], $0x80, v3, vm1, $0xb8;
	[tilespmem:$0x1C200] =	vst v63  }
0xa6: {  	s20 =	ssub.s32 s19, s20;
	s24 =	sor.u32 @!p0 $0x2A00, s23;
	s22 =	sadd.s32 s30, s22  }
0xa7: {  	[tilespmem:s24], [sflag:s21] =	stream.indirect_vreg.gather @!p0 [hbm4b:s5+s25], $0x80, v3, vm1, $0xb8;
	[tilespmem:$0x1C200] =	vst v63  }
0xa8: {  	s20 =	sand.u32 $0xFF, s20;
	s22 =	sshrl.u32 s22, $0x2;
	s24 =	sor.u32 @!p0 $0x3200, s23  }
0xa9: {  	[tilespmem:s24], [sflag:s21] =	stream.indirect_vreg.gather @!p0 [hbm4b:s6+s25], $0x80, v3, vm1, $0xb8;
	[tilespmem:$0x1C200] =	vst v63  }
0xaa: {  	s29 =	sadd.s32 $0x1, s20;
	s22 =	smul.u32 $0x1C000, s22;
	s23 =	sor.u32 @!p0 $0x3A00, s23  }
0xab: {  	[tilespmem:s23], [sflag:s21] =	stream.indirect_vreg.gather @!p0 [hbm4b:s7+s25], $0x80, v3, vm1, $0xb8;
	[tilespmem:$0x1C200] =	vst v63  }
0xac: {  	s24 =	ssub.s32 s18, s22;
	s21 =	simm.s32 $0x0;
	_ =	swait.ge [sflag:s29], $0x4000  }
0xad: {  	s22 =	sand.u32 $0x1E000, s24;
	s30 =	sand.u32 $0x380, s21;
	[sflag:s29] =	ssyncset.done $0x0  }
0xae: {  	s25 =	sor.u32 s30, s22;
	[sflag:s29] =	ssyncadd.s32 $0xFFFFC000  }
0xaf: {  	v3 =	vld [tilespmem:s25+$0x200]  }
0xb0: {  	v4 =	vld [tilespmem:s25+$0x210]  }
0xb1: {  	v5 =	vld [tilespmem:s25+$0x220]  }
0xb2: {  	v6 =	vld [tilespmem:s25+$0x230]  }
0xb3: {  	v7 =	vld [tilespmem:s25+$0x250]  }
0xb4: {  	v8 =	vld [tilespmem:s25+$0x260]  }
0xb5: {  	v9 =	vld [tilespmem:s25+$0x270];
	v3 =	vmul.f32 $3.200000000e+01, v3  }
0xb6: {  	v10 =	vld [tilespmem:s25+$0x600];
	v4 =	vmul.f32 $3.200000000e+01, v4  }
0xb7: {  	s26 =	simm.s32 $0x80;
	s23 =	sadd.s32 $0x400, s24;
	v11 =	vld [tilespmem:s25+$0x610];
	[tilespmem:s25+$0x200] =	vst v3;
	v3 =	vmul.f32 $3.200000000e+01, v5  }
0xb8: {  	s28 =	sand.u32 $0x1E000, s23;
	s22 =	sand.u32 $0x380, s26;
	v12 =	vld [tilespmem:s25+$0x620];
	[tilespmem:s25+$0x210] =	vst v4;
	v4 =	vmul.f32 $3.200000000e+01, v6  }
0xb9: {  	s22 =	sor.u32 s22, s28;
	v13 =	vld [tilespmem:s25+$0x630];
	[tilespmem:s25+$0x220] =	vst v3;
	v3 =	vmul.f32 $3.200000000e+01, v7  }
0xba: {  	v59 =	vld [tilespmem:s22+$0x260];
	[tilespmem:s25+$0x230] =	vst v4;
	v4 =	vmul.f32 $3.200000000e+01, v8  }
0xbb: {  	v51 =	vld [tilespmem:s25+$0xA50];
	[tilespmem:s25+$0x250] =	vst v3;
	v3 =	vmul.f32 $3.200000000e+01, v9  }
0xbc: {  	v5 =	vld [tilespmem:s25+$0x650];
	[tilespmem:s25+$0x260] =	vst v4;
	v4 =	vmul.f32 $3.200000000e+01, v10  }
0xbd: {  	v60 =	vld [tilespmem:s22+$0x270];
	[tilespmem:s25+$0x270] =	vst v3;
	v3 =	vmul.f32 $3.200000000e+01, v11  }
0xbe: {  	v6 =	vld [tilespmem:s25+$0x660];
	[tilespmem:s25+$0x600] =	vst v4;
	v4 =	vmul.f32 $3.200000000e+01, v12  }
0xbf: {  	v7 =	vld [tilespmem:s25+$0x670];
	v12 =	vmul.f32 $3.200000000e+01, v59;
	[tilespmem:s25+$0x610] =	vst v3  }
0xc0: {  	v8 =	vld [tilespmem:s25+$0xA00];
	v3 =	vmul.f32 $3.200000000e+01, v13;
	[tilespmem:s25+$0x620] =	vst v4  }
0xc1: {  	v9 =	vld [tilespmem:s25+$0xA10];
	v4 =	vmul.f32 $3.200000000e+01, v5;
	[tilespmem:s22+$0x260] =	vst v12  }
0xc2: {  	v10 =	vld [tilespmem:s25+$0xA20];
	v13 =	vmul.f32 $3.200000000e+01, v60;
	[tilespmem:s25+$0x630] =	vst v3  }
0xc3: {  	v11 =	vld [tilespmem:s25+$0xA30];
	v3 =	vmul.f32 $3.200000000e+01, v6;
	[tilespmem:s25+$0x650] =	vst v4  }
0xc4: {  	v52 =	vld [tilespmem:s25+$0xA60];
	v4 =	vmul.f32 $3.200000000e+01, v7;
	[tilespmem:s22+$0x270] =	vst v13  }
0xc5: {  	v53 =	vld [tilespmem:s25+$0xE70];
	[tilespmem:s25+$0x660] =	vst v3;
	v3 =	vmul.f32 $3.200000000e+01, v8  }
0xc6: {  	v5 =	vld [tilespmem:s25+$0xA70];
	[tilespmem:s25+$0x670] =	vst v4;
	v4 =	vmul.f32 $3.200000000e+01, v9  }
0xc7: {  	v6 =	vld [tilespmem:s25+$0xE00];
	[tilespmem:s25+$0xA00] =	vst v3;
	v3 =	vmul.f32 $3.200000000e+01, v10  }
0xc8: {  	v7 =	vld [tilespmem:s25+$0xE10];
	[tilespmem:s25+$0xA10] =	vst v4;
	v4 =	vmul.f32 $3.200000000e+01, v11  }
0xc9: {  	v8 =	vld [tilespmem:s25+$0xE20];
	[tilespmem:s25+$0xA20] =	vst v3;
	v3 =	vmul.f32 $3.200000000e+01, v51  }
0xca: {  	v9 =	vld [tilespmem:s25+$0xE30];
	[tilespmem:s25+$0xA30] =	vst v4;
	v4 =	vmul.f32 $3.200000000e+01, v52  }
0xcb: {  	v10 =	vld [tilespmem:s25+$0xE50];
	[tilespmem:s25+$0xA50] =	vst v3;
	v3 =	vmul.f32 $3.200000000e+01, v5  }
0xcc: {  	v11 =	vld [tilespmem:s25+$0xE60];
	[tilespmem:s25+$0xA60] =	vst v4;
	v4 =	vmul.f32 $3.200000000e+01, v6  }
0xcd: {  	v54 =	vld [tilespmem:s25+$0x1200];
	[tilespmem:s25+$0xA70] =	vst v3;
	v3 =	vmul.f32 $3.200000000e+01, v7  }
0xce: {  	v55 =	vld [tilespmem:s25+$0x1610];
	[tilespmem:s25+$0xE00] =	vst v4;
	v4 =	vmul.f32 $3.200000000e+01, v8  }
0xcf: {  	v5 =	vld [tilespmem:s25+$0x1210];
	[tilespmem:s25+$0xE10] =	vst v3;
	v3 =	vmul.f32 $3.200000000e+01, v9  }
0xd0: {  	v6 =	vld [tilespmem:s25+$0x1220];
	[tilespmem:s25+$0xE20] =	vst v4;
	v4 =	vmul.f32 $3.200000000e+01, v10  }
0xd1: {  	v7 =	vld [tilespmem:s25+$0x1230];
	[tilespmem:s25+$0xE30] =	vst v3;
	v3 =	vmul.f32 $3.200000000e+01, v11  }
0xd2: {  	v8 =	vld [tilespmem:s25+$0x1250];
	[tilespmem:s25+$0xE50] =	vst v4;
	v4 =	vmul.f32 $3.200000000e+01, v53  }
0xd3: {  	v9 =	vld [tilespmem:s25+$0x1260];
	[tilespmem:s25+$0xE60] =	vst v3;
	v3 =	vmul.f32 $3.200000000e+01, v54  }
0xd4: {  	v10 =	vld [tilespmem:s25+$0x1270];
	[tilespmem:s25+$0xE70] =	vst v4;
	v4 =	vmul.f32 $3.200000000e+01, v5  }
0xd5: {  	v11 =	vld [tilespmem:s25+$0x1600];
	[tilespmem:s25+$0x1200] =	vst v3;
	v3 =	vmul.f32 $3.200000000e+01, v6  }
0xd6: {  	v56 =	vld [tilespmem:s25+$0x1620];
	[tilespmem:s25+$0x1210] =	vst v4;
	v4 =	vmul.f32 $3.200000000e+01, v7  }
0xd7: {  	v57 =	vld [tilespmem:s22+$0x200];
	[tilespmem:s25+$0x1220] =	vst v3;
	v3 =	vmul.f32 $3.200000000e+01, v8  }
0xd8: {  	v8 =	vld [tilespmem:s25+$0x1670];
	[tilespmem:s25+$0x1230] =	vst v4;
	v4 =	vmul.f32 $3.200000000e+01, v9  }
0xd9: {  	v5 =	vld [tilespmem:s25+$0x1630];
	[tilespmem:s25+$0x1250] =	vst v3;
	v3 =	vmul.f32 $3.200000000e+01, v10  }
0xda: {  	v6 =	vld [tilespmem:s25+$0x1650];
	[tilespmem:s25+$0x1260] =	vst v4;
	v4 =	vmul.f32 $3.200000000e+01, v11  }
0xdb: {  	v9 =	vld [tilespmem:s25+$0x1A00];
	[tilespmem:s25+$0x1270] =	vst v3;
	v3 =	vmul.f32 $3.200000000e+01, v55  }
0xdc: {  	v10 =	vld [tilespmem:s25+$0x1A10];
	[tilespmem:s25+$0x1600] =	vst v4;
	v4 =	vmul.f32 $3.200000000e+01, v56  }
0xdd: {  	v11 =	vld [tilespmem:s25+$0x1A20];
	v8 =	vmul.f32 $3.200000000e+01, v8;
	[tilespmem:s25+$0x1610] =	vst v3  }
0xde: {  	v7 =	vld [tilespmem:s25+$0x1660];
	v3 =	vmul.f32 $3.200000000e+01, v5;
	[tilespmem:s25+$0x1620] =	vst v4  }
0xdf: {  	v58 =	vld [tilespmem:s22+$0x210];
	v4 =	vmul.f32 $3.200000000e+01, v6;
	[tilespmem:s25+$0x1670] =	vst v8  }
0xe0: {  	v61 =	vld [tilespmem:s25+$0x640];
	v8 =	vmul.f32 $3.200000000e+01, v9;
	[tilespmem:s25+$0x1630] =	vst v3  }
0xe1: {  	v5 =	vld [tilespmem:s22+$0x220];
	v10 =	vmul.f32 $3.200000000e+01, v10;
	[tilespmem:s25+$0x1650] =	vst v4  }
0xe2: {  	v6 =	vld [tilespmem:s22+$0x230];
	v11 =	vmul.f32 $3.200000000e+01, v11;
	[tilespmem:s25+$0x1A00] =	vst v8  }
0xe3: {  	v3 =	vmul.f32 $3.200000000e+01, v7;
	v7 =	vld [tilespmem:s22+$0x250];
	[tilespmem:s25+$0x1A10] =	vst v10  }
0xe4: {  	v4 =	vmul.f32 $3.200000000e+01, v57;
	v10 =	vld [tilespmem:s22+$0x620];
	[tilespmem:s25+$0x1A20] =	vst v11  }
0xe5: {  	v11 =	vld [tilespmem:s22+$0x630];
	[tilespmem:s25+$0x1660] =	vst v3;
	v3 =	vmul.f32 $3.200000000e+01, v58  }
0xe6: {  	[tilespmem:s22+$0x200] =	vst v4;
	v4 =	vld [tilespmem:s25+$0x1A30];
	v5 =	vmul.f32 $3.200000000e+01, v5  }
0xe7: {  	v6 =	vmul.f32 $3.200000000e+01, v6;
	[tilespmem:s22+$0x210] =	vst v3;
	v3 =	vld [tilespmem:s25+$0x1A50]  }
0xe8: {  	[tilespmem:s22+$0x220] =	vst v5;
	v5 =	vld [tilespmem:s25+$0x1A60];
	v7 =	vmul.f32 $3.200000000e+01, v7  }
0xe9: {  	[tilespmem:s22+$0x230] =	vst v6;
	v6 =	vld [tilespmem:s25+$0x1A70];
	v10 =	vmul.f32 $3.200000000e+01, v10  }
0xea: {  	v9 =	vld [tilespmem:s22+$0x600];
	v11 =	vmul.f32 $3.200000000e+01, v11;
	[tilespmem:s22+$0x250] =	vst v7  }
0xeb: {  	v8 =	vld [tilespmem:s22+$0x610];
	v4 =	vmul.f32 $3.200000000e+01, v4;
	[tilespmem:s22+$0x620] =	vst v10  }
0xec: {  	v7 =	vld [tilespmem:s25+$0x240];
	[tilespmem:s22+$0x630] =	vst v11;
	v3 =	vmul.f32 $3.200000000e+01, v3  }
0xed: {  	[tilespmem:s25+$0x1A30] =	vst v4;
	v4 =	vld [tilespmem:s22+$0x650];
	v5 =	vmul.f32 $3.200000000e+01, v5  }
0xee: {  	v62 =	vld [tilespmem:s25+$0xA40];
	v6 =	vmul.f32 $3.200000000e+01, v6;
	[tilespmem:s25+$0x1A50] =	vst v3  }
0xef: {  	v3 =	vmul.f32 $3.200000000e+01, v9;
	v9 =	vld [tilespmem:s22+$0x660];
	[tilespmem:s25+$0x1A60] =	vst v5  }
0xf0: {  	v10 =	vld [tilespmem:s25+$0x1640];
	v5 =	vmul.f32 $3.200000000e+01, v8;
	[tilespmem:s25+$0x1A70] =	vst v6  }
0xf1: {  	s29 =	sand.u32 $0x7, s21;
	v8 =	vld [tilespmem:s22+$0x670];
	v7 =	vmul.f32 $3.200000000e+01, v7;
	[tilespmem:s22+$0x600] =	vst v3  }
0xf2: {  	s26 =	sshll.u32 s29, $0x7;
	v3 =	vld [tilespmem:s25+$0xE40];
	[tilespmem:s22+$0x610] =	vst v5;
	v4 =	vmul.f32 $3.200000000e+01, v4  }
0xf3: {  	s24 =	sadd.s32 s26, s24;
	v12 =	vmul.f32 $3.200000000e+01, v61;
	v5 =	vld [tilespmem:s25+$0x1240];
	[tilespmem:s25+$0x240] =	vst v7  }
0xf4: {  	s26 =	sor.u32 $0x1C00, s24;
	v7 =	vld [tilespmem:s22+$0xA10];
	[tilespmem:s22+$0x650] =	vst v4;
	v4 =	vmul.f32 $3.200000000e+01, v9  }
0xf5: {  	v13 =	vmul.f32 $3.200000000e+01, v62;
	v11 =	vld [tilespmem:s26+$0x200];
	[tilespmem:s25+$0x640] =	vst v12  }
0xf6: {  	v8 =	vmul.f32 $3.200000000e+01, v8;
	[tilespmem:s22+$0x660] =	vst v4;
	v4 =	vld [tilespmem:s25+$0x1A40]  }
0xf7: {  	[tilespmem:s25+$0xA40] =	vst v13;
	v3 =	vmul.f32 $3.200000000e+01, v3  }
0xf8: {  	v5 =	vmul.f32 $3.200000000e+01, v5;
	[tilespmem:s22+$0x670] =	vst v8  }
0xf9: {  	v8 =	vmul.f32 $3.200000000e+01, v10;
	[tilespmem:s25+$0xE40] =	vst v3  }
0xfa: {  	v7 =	vmul.f32 $3.200000000e+01, v7;
	[tilespmem:s25+$0x1240] =	vst v5  }
0xfb: {  	[tilespmem:s25+$0x1640] =	vst v8;
	v4 =	vmul.f32 $3.200000000e+01, v4  }
0xfc: {  	v6 =	vld [tilespmem:s22+$0xA00];
	[tilespmem:s22+$0xA10] =	vst v7;
	v7 =	vmul.f32 $3.200000000e+01, v11  }
0xfd: {  	[tilespmem:s25+$0x1A40] =	vst v4  }
0xfe: {  	s30 =	sor.u32 $0x1C10, s24;
	v3 =	vld [tilespmem:s22+$0xA50];
	[tilespmem:s26+$0x200] =	vst v7  }
0xff: {  	v7 =	vld [tilespmem:s30+$0x200]  }
0x100: {  	v4 =	vld [tilespmem:s22+$0xE00]  }
0x101: {  	v5 =	vmul.f32 $3.200000000e+01, v6;
	v6 =	vld [tilespmem:s22+$0xA60];
	_ =	sdelay $0x1  }
0x102: {  	v3 =	vmul.f32 $3.200000000e+01, v3  }
0x103: {  	v7 =	vmul.f32 $3.200000000e+01, v7  }
0x104: {  	[tilespmem:s22+$0xA50] =	vst v3;
	v3 =	vld [tilespmem:s22+$0xE30];
	v4 =	vmul.f32 $3.200000000e+01, v4  }
0x105: {  	v6 =	vmul.f32 $3.200000000e+01, v6;
	s26 =	sor.u32 $0x1C20, s24;
	[tilespmem:s30+$0x200] =	vst v7  }
0x106: {  	[tilespmem:s22+$0xE00] =	vst v4;
	v4 =	vld [tilespmem:s26+$0x200]  }
0x107: {  	[tilespmem:s22+$0xA60] =	vst v6;
	v6 =	vld [tilespmem:s22+$0xE50];
	_ =	sdelay $0x1  }
0x108: {  	v3 =	vmul.f32 $3.200000000e+01, v3  }
0x109: {  	v9 =	vld [tilespmem:s22+$0xA30]  }
0x10a: {  	[tilespmem:s22+$0xE30] =	vst v3;
	v3 =	vmul.f32 $3.200000000e+01, v4  }
0x10b: {  	v63 =	vld [tilespmem:s22+$0xA20];
	v6 =	vmul.f32 $3.200000000e+01, v6  }
0x10c: {  	s28 =	sor.u32 $0x1C30, s24;
	v8 =	vld [tilespmem:s22+$0xA70];
	[tilespmem:s26+$0x200] =	vst v3  }
0x10d: {  	[tilespmem:s22+$0xE50] =	vst v6;
	v6 =	vld [tilespmem:s28+$0x200]  }
0x10e: {  	v9 =	vmul.f32 $3.200000000e+01, v9  }
0x10f: {  	[tilespmem:s22+$0xA00] =	vst v5;
	v7 =	vld [tilespmem:s22+$0xE70]  }
0x110: {  	v5 =	vmul.f32 $3.200000000e+01, v63;
	[tilespmem:s22+$0xA30] =	vst v9;
	v9 =	vld [tilespmem:s22+$0xE20]  }
0x111: {  	v8 =	vmul.f32 $3.200000000e+01, v8  }
0x112: {  	[tilespmem:s22+$0xA20] =	vst v5;
	v5 =	vld [tilespmem:s22+$0xE10];
	v6 =	vmul.f32 $3.200000000e+01, v6  }
0x113: {  	[tilespmem:s22+$0xA70] =	vst v8;
	v8 =	vld [tilespmem:s22+$0xE60]  }
0x114: {  	s29 =	sor.u32 $0x1C40, s24;
	v7 =	vmul.f32 $3.200000000e+01, v7;
	v3 =	vld [tilespmem:s22+$0x1230];
	[tilespmem:s28+$0x200] =	vst v6  }
0x115: {  	v9 =	vmul.f32 $3.200000000e+01, v9;
	v6 =	vld [tilespmem:s29+$0x200]  }
0x116: {  	[tilespmem:s22+$0xE70] =	vst v7;
	v7 =	vld [tilespmem:s22+$0x1260]  }
0x117: {  	v5 =	vmul.f32 $3.200000000e+01, v5;
	[tilespmem:s22+$0xE20] =	vst v9;
	v9 =	vld [tilespmem:s22+$0x1210]  }
0x118: {  	v8 =	vmul.f32 $3.200000000e+01, v8;
	v4 =	vld [tilespmem:s22+$0x1220]  }
0x119: {  	[tilespmem:s22+$0xE10] =	vst v5;
	v5 =	vld [tilespmem:s22+$0x1200];
	v3 =	vmul.f32 $3.200000000e+01, v3  }
0x11a: {  	[tilespmem:s22+$0xE60] =	vst v8;
	v8 =	vld [tilespmem:s22+$0x1250];
	v6 =	vmul.f32 $3.200000000e+01, v6  }
0x11b: {  	v7 =	vmul.f32 $3.200000000e+01, v7;
	[tilespmem:s22+$0x1230] =	vst v3;
	v3 =	vld [tilespmem:s22+$0x1620]  }
0x11c: {  	v10 =	vld [tilespmem:s22+$0x1270];
	s30 =	sor.u32 $0x1C50, s24;
	v9 =	vmul.f32 $3.200000000e+01, v9;
	[tilespmem:s29+$0x200] =	vst v6  }
0x11d: {  	v4 =	vmul.f32 $3.200000000e+01, v4;
	[tilespmem:s22+$0x1260] =	vst v7;
	v7 =	vld [tilespmem:s30+$0x200]  }
0x11e: {  	v5 =	vmul.f32 $3.200000000e+01, v5;
	[tilespmem:s22+$0x1210] =	vst v9  }
0x11f: {  	v8 =	vmul.f32 $3.200000000e+01, v8;
	[tilespmem:s22+$0x1220] =	vst v4;
	v4 =	vld [tilespmem:s22+$0x1610]  }
0x120: {  	[tilespmem:s22+$0x1200] =	vst v5;
	v5 =	vld [tilespmem:s22+$0x1600];
	v3 =	vmul.f32 $3.200000000e+01, v3  }
0x121: {  	v9 =	vmul.f32 $3.200000000e+01, v10;
	[tilespmem:s22+$0x1250] =	vst v8;
	v8 =	vld [tilespmem:s22+$0x1630]  }
0x122: {  	[tilespmem:s22+$0x1620] =	vst v3;
	v6 =	vld [tilespmem:s22+$0x1650];
	v3 =	vmul.f32 $3.200000000e+01, v7  }
0x123: {  	[tilespmem:s22+$0x1270] =	vst v9;
	v9 =	vld [tilespmem:s22+$0x1660]  }
0x124: {  	v10 =	vld [tilespmem:s22+$0x1670];
	s26 =	sor.u32 $0x1C60, s24;
	v4 =	vmul.f32 $3.200000000e+01, v4;
	[tilespmem:s30+$0x200] =	vst v3  }
0x125: {  	v5 =	vmul.f32 $3.200000000e+01, v5;
	v3 =	vld [tilespmem:s26+$0x200]  }
0x126: {  	v11 =	vld [tilespmem:s22+$0x1A00];
	[tilespmem:s22+$0x1610] =	vst v4;
	v4 =	vmul.f32 $3.200000000e+01, v8  }
0x127: {  	[tilespmem:s22+$0x1600] =	vst v5;
	v5 =	vld [tilespmem:s22+$0x1A10];
	v7 =	vmul.f32 $3.200000000e+01, v6  }
0x128: {  	[tilespmem:s22+$0x1630] =	vst v4;
	v4 =	vmul.f32 $3.200000000e+01, v9;
	v6 =	vld [tilespmem:s22+$0x1A20]  }
0x129: {  	v8 =	vmul.f32 $3.200000000e+01, v10;
	[tilespmem:s22+$0x1650] =	vst v7;
	v7 =	vld [tilespmem:s22+$0x1A30]  }
0x12a: {  	[tilespmem:s22+$0x1660] =	vst v4;
	v4 =	vld [tilespmem:s22+$0x1A50];
	v3 =	vmul.f32 $3.200000000e+01, v3  }
0x12b: {  	s25 =	simm.s32 $0x100;
	[tilespmem:s22+$0x1670] =	vst v8;
	v9 =	vmul.f32 $3.200000000e+01, v11;
	v8 =	vld [tilespmem:s22+$0x1A60]  }
.LBB2_3:
0x12c: {  	p0 =	sne.s32 s25, $0x780;
	v5 =	vmul.f32 $3.200000000e+01, v5;
	v10 =	vld [tilespmem:s22+$0x1A70];
	[tilespmem:s26+$0x200] =	vst v3;
	s26 =	sor.u32 $0x1C70, s24  }
0x12d: {  	[tilespmem:s22+$0x1A00] =	vst v9;
	v3 =	vmul.f32 $3.200000000e+01, v6;
	v6 =	vld [tilespmem:s26+$0x200]  }
0x12e: {  	v9 =	vld [tilespmem:s22+$0x240];
	[tilespmem:s22+$0x1A10] =	vst v5;
	v5 =	vmul.f32 $3.200000000e+01, v7  }
0x12f: {  	v7 =	vld [tilespmem:s22+$0x640];
	[tilespmem:s22+$0x1A20] =	vst v3;
	v3 =	vmul.f32 $3.200000000e+01, v4  }
0x130: {  	s21 =	sadd.s32 $0x1, s21;
	v4 =	vld [tilespmem:s22+$0xA40];
	[tilespmem:s22+$0x1A30] =	vst v5;
	v5 =	vmul.f32 $3.200000000e+01, v8  }
0x131: {  	s24 =	sand.u32 $0x7, s21;
	v8 =	vld [tilespmem:s22+$0xE40];
	[tilespmem:s22+$0x1A50] =	vst v3;
	v3 =	vmul.f32 $3.200000000e+01, v10  }
0x132: {  	s24 =	sshll.u32 s24, $0x7;
	v10 =	vld [tilespmem:s22+$0x1240];
	[tilespmem:s22+$0x1A60] =	vst v5;
	v5 =	vmul.f32 $3.200000000e+01, v6  }
0x133: {  	s24 =	sadd.s32 s24, s23;
	s23 =	sadd.s32 $0x400, s23;
	v6 =	vmul.f32 $3.200000000e+01, v9;
	v9 =	vld [tilespmem:s22+$0x1640];
	[tilespmem:s22+$0x1A70] =	vst v3  }
0x134: {  	s29 =	sand.u32 $0x380, s25;
	s28 =	sand.u32 $0x1E000, s23;
	s30 =	sor.u32 $0x1C00, s24;
	v3 =	vmul.f32 $3.200000000e+01, v7;
	v7 =	vld [tilespmem:s22+$0x1A40];
	[tilespmem:s26+$0x200] =	vst v5  }
0x135: {  	s26 =	sor.u32 s29, s28;
	[tilespmem:s22+$0x240] =	vst v6;
	v4 =	vmul.f32 $3.200000000e+01, v4;
	v5 =	vld [tilespmem:s30+$0x200]  }
0x136: {  	v6 =	vld [tilespmem:s26+$0x200];
	[tilespmem:s22+$0x640] =	vst v3;
	v3 =	vmul.f32 $3.200000000e+01, v8  }
0x137: {  	v8 =	vld [tilespmem:s26+$0x210];
	[tilespmem:s22+$0xA40] =	vst v4;
	v4 =	vmul.f32 $3.200000000e+01, v10  }
0x138: {  	v10 =	vld [tilespmem:s26+$0x220];
	[tilespmem:s22+$0xE40] =	vst v3;
	v3 =	vmul.f32 $3.200000000e+01, v9  }
0x139: {  	v9 =	vld [tilespmem:s26+$0x230];
	[tilespmem:s22+$0x1240] =	vst v4;
	v4 =	vmul.f32 $3.200000000e+01, v7  }
0x13a: {  	v7 =	vld [tilespmem:s26+$0x250];
	[tilespmem:s22+$0x1640] =	vst v3;
	v3 =	vmul.f32 $3.200000000e+01, v5  }
0x13b: {  	v5 =	vmul.f32 $3.200000000e+01, v6;
	v6 =	vld [tilespmem:s26+$0x260];
	[tilespmem:s22+$0x1A40] =	vst v4;
	s22 =	smov.u32 s26  }
0x13c: {  	s26 =	sor.u32 $0x1C10, s24;
	v4 =	vmul.f32 $3.200000000e+01, v8;
	v8 =	vld [tilespmem:s22+$0x270];
	[tilespmem:s30+$0x200] =	vst v3  }
0x13d: {  	[tilespmem:s22+$0x200] =	vst v5;
	v3 =	vmul.f32 $3.200000000e+01, v10;
	v5 =	vld [tilespmem:s26+$0x200]  }
0x13e: {  	[tilespmem:s22+$0x210] =	vst v4;
	v4 =	vmul.f32 $3.200000000e+01, v9;
	v9 =	vld [tilespmem:s22+$0x600]  }
0x13f: {  	[tilespmem:s22+$0x220] =	vst v3;
	v3 =	vmul.f32 $3.200000000e+01, v7;
	v7 =	vld [tilespmem:s22+$0x610]  }
0x140: {  	[tilespmem:s22+$0x230] =	vst v4;
	v4 =	vmul.f32 $3.200000000e+01, v6;
	v6 =	vld [tilespmem:s22+$0x620]  }
0x141: {  	[tilespmem:s22+$0x250] =	vst v3;
	v3 =	vmul.f32 $3.200000000e+01, v8;
	v8 =	vld [tilespmem:s22+$0x630]  }
0x142: {  	[tilespmem:s22+$0x260] =	vst v4;
	v4 =	vld [tilespmem:s22+$0x650];
	v5 =	vmul.f32 $3.200000000e+01, v5  }
0x143: {  	[tilespmem:s22+$0x270] =	vst v3;
	v3 =	vmul.f32 $3.200000000e+01, v9;
	v9 =	vld [tilespmem:s22+$0x660]  }
0x144: {  	v7 =	vmul.f32 $3.200000000e+01, v7;
	v10 =	vld [tilespmem:s22+$0x670];
	[tilespmem:s26+$0x200] =	vst v5;
	s26 =	sor.u32 $0x1C20, s24  }
0x145: {  	[tilespmem:s22+$0x600] =	vst v3;
	v3 =	vmul.f32 $3.200000000e+01, v6;
	v5 =	vld [tilespmem:s26+$0x200]  }
0x146: {  	[tilespmem:s22+$0x610] =	vst v7;
	v6 =	vmul.f32 $3.200000000e+01, v8;
	v7 =	vld [tilespmem:s22+$0xA00]  }
0x147: {  	[tilespmem:s22+$0x620] =	vst v3;
	v3 =	vmul.f32 $3.200000000e+01, v4;
	v4 =	vld [tilespmem:s22+$0xA10]  }
0x148: {  	[tilespmem:s22+$0x630] =	vst v6;
	v6 =	vmul.f32 $3.200000000e+01, v9;
	v8 =	vld [tilespmem:s22+$0xA20]  }
0x149: {  	[tilespmem:s22+$0x650] =	vst v3;
	v3 =	vmul.f32 $3.200000000e+01, v10;
	v9 =	vld [tilespmem:s22+$0xA30]  }
0x14a: {  	[tilespmem:s22+$0x660] =	vst v6;
	v6 =	vld [tilespmem:s22+$0xA50];
	v5 =	vmul.f32 $3.200000000e+01, v5  }
0x14b: {  	[tilespmem:s22+$0x670] =	vst v3;
	v3 =	vmul.f32 $3.200000000e+01, v7;
	v7 =	vld [tilespmem:s22+$0xA60]  }
0x14c: {  	v4 =	vmul.f32 $3.200000000e+01, v4;
	v10 =	vld [tilespmem:s22+$0xA70];
	[tilespmem:s26+$0x200] =	vst v5;
	s26 =	sor.u32 $0x1C30, s24  }
0x14d: {  	[tilespmem:s22+$0xA00] =	vst v3;
	v3 =	vmul.f32 $3.200000000e+01, v8;
	v5 =	vld [tilespmem:s26+$0x200]  }
0x14e: {  	[tilespmem:s22+$0xA10] =	vst v4;
	v4 =	vmul.f32 $3.200000000e+01, v9;
	v8 =	vld [tilespmem:s22+$0xE00]  }
0x14f: {  	[tilespmem:s22+$0xA20] =	vst v3;
	v3 =	vmul.f32 $3.200000000e+01, v6;
	v6 =	vld [tilespmem:s22+$0xE10]  }
0x150: {  	[tilespmem:s22+$0xA30] =	vst v4;
	v4 =	vmul.f32 $3.200000000e+01, v7;
	v7 =	vld [tilespmem:s22+$0xE20]  }
0x151: {  	[tilespmem:s22+$0xA50] =	vst v3;
	v3 =	vmul.f32 $3.200000000e+01, v10;
	v9 =	vld [tilespmem:s22+$0xE30]  }
0x152: {  	[tilespmem:s22+$0xA60] =	vst v4;
	v4 =	vld [tilespmem:s22+$0xE50];
	v5 =	vmul.f32 $3.200000000e+01, v5  }
0x153: {  	[tilespmem:s22+$0xA70] =	vst v3;
	v3 =	vmul.f32 $3.200000000e+01, v8;
	v8 =	vld [tilespmem:s22+$0xE60]  }
0x154: {  	v6 =	vmul.f32 $3.200000000e+01, v6;
	v10 =	vld [tilespmem:s22+$0xE70];
	[tilespmem:s26+$0x200] =	vst v5;
	s26 =	sor.u32 $0x1C40, s24  }
0x155: {  	[tilespmem:s22+$0xE00] =	vst v3;
	v3 =	vmul.f32 $3.200000000e+01, v7;
	v5 =	vld [tilespmem:s26+$0x200]  }
0x156: {  	[tilespmem:s22+$0xE10] =	vst v6;
	v6 =	vmul.f32 $3.200000000e+01, v9;
	v7 =	vld [tilespmem:s22+$0x1200]  }
0x157: {  	[tilespmem:s22+$0xE20] =	vst v3;
	v3 =	vmul.f32 $3.200000000e+01, v4;
	v4 =	vld [tilespmem:s22+$0x1210]  }
0x158: {  	[tilespmem:s22+$0xE30] =	vst v6;
	v6 =	vmul.f32 $3.200000000e+01, v8;
	v8 =	vld [tilespmem:s22+$0x1220]  }
0x159: {  	[tilespmem:s22+$0xE50] =	vst v3;
	v3 =	vmul.f32 $3.200000000e+01, v10;
	v9 =	vld [tilespmem:s22+$0x1230]  }
0x15a: {  	[tilespmem:s22+$0xE60] =	vst v6;
	v6 =	vld [tilespmem:s22+$0x1250];
	v5 =	vmul.f32 $3.200000000e+01, v5  }
0x15b: {  	[tilespmem:s22+$0xE70] =	vst v3;
	v3 =	vmul.f32 $3.200000000e+01, v7;
	v7 =	vld [tilespmem:s22+$0x1260]  }
0x15c: {  	v4 =	vmul.f32 $3.200000000e+01, v4;
	v10 =	vld [tilespmem:s22+$0x1270];
	[tilespmem:s26+$0x200] =	vst v5;
	s26 =	sor.u32 $0x1C50, s24  }
0x15d: {  	[tilespmem:s22+$0x1200] =	vst v3;
	v3 =	vmul.f32 $3.200000000e+01, v8;
	v5 =	vld [tilespmem:s26+$0x200]  }
0x15e: {  	[tilespmem:s22+$0x1210] =	vst v4;
	v4 =	vmul.f32 $3.200000000e+01, v9;
	v8 =	vld [tilespmem:s22+$0x1600]  }
0x15f: {  	[tilespmem:s22+$0x1220] =	vst v3;
	v3 =	vmul.f32 $3.200000000e+01, v6;
	v6 =	vld [tilespmem:s22+$0x1610]  }
0x160: {  	[tilespmem:s22+$0x1230] =	vst v4;
	v4 =	vmul.f32 $3.200000000e+01, v7;
	v7 =	vld [tilespmem:s22+$0x1620]  }
0x161: {  	[tilespmem:s22+$0x1250] =	vst v3;
	v3 =	vmul.f32 $3.200000000e+01, v10;
	v9 =	vld [tilespmem:s22+$0x1630]  }
0x162: {  	[tilespmem:s22+$0x1260] =	vst v4;
	v4 =	vld [tilespmem:s22+$0x1650];
	v5 =	vmul.f32 $3.200000000e+01, v5  }
0x163: {  	[tilespmem:s22+$0x1270] =	vst v3;
	v3 =	vmul.f32 $3.200000000e+01, v8;
	v8 =	vld [tilespmem:s22+$0x1660]  }
0x164: {  	v6 =	vmul.f32 $3.200000000e+01, v6;
	v10 =	vld [tilespmem:s22+$0x1670];
	[tilespmem:s26+$0x200] =	vst v5;
	s26 =	sor.u32 $0x1C60, s24  }
0x165: {  	[tilespmem:s22+$0x1600] =	vst v3;
	v3 =	vmul.f32 $3.200000000e+01, v7;
	v11 =	vld [tilespmem:s26+$0x200]  }
0x166: {  	[tilespmem:s22+$0x1610] =	vst v6;
	v6 =	vmul.f32 $3.200000000e+01, v9;
	v9 =	vld [tilespmem:s22+$0x1A00]  }
.Ltmp0:
0x167: {  	[tilespmem:s22+$0x1620] =	vst v3;
	v3 =	vmul.f32 $3.200000000e+01, v4;
	v5 =	vld [tilespmem:s22+$0x1A10];
	(pc) =	sbr.rel @p0 .LBB2_3-.Ltmp0, $4  }
0x168: {  	[tilespmem:s22+$0x1630] =	vst v6;
	v4 =	vmul.f32 $3.200000000e+01, v8;
	v6 =	vld [tilespmem:s22+$0x1A20]  }
0x169: {  	[tilespmem:s22+$0x1650] =	vst v3;
	v8 =	vmul.f32 $3.200000000e+01, v10;
	v7 =	vld [tilespmem:s22+$0x1A30]  }
0x16a: {  	[tilespmem:s22+$0x1660] =	vst v4;
	v4 =	vld [tilespmem:s22+$0x1A50];
	v3 =	vmul.f32 $3.200000000e+01, v11  }
0x16b: {  	s25 =	sadd.s32 $0x80, s25;
	[tilespmem:s22+$0x1670] =	vst v8;
	v9 =	vmul.f32 $3.200000000e+01, v9;
	v8 =	vld [tilespmem:s22+$0x1A60]  }
0x16c: {  	v10 =	vld [tilespmem:s22+$0x1A70];
	v5 =	vmul.f32 $3.200000000e+01, v5  }
0x16d: {  	v53 =	vld [tilespmem:s22+$0x240];
	[tilespmem:s22+$0x1A00] =	vst v9;
	v6 =	vmul.f32 $3.200000000e+01, v6  }
0x16e: {  	[tilespmem:s22+$0x1A10] =	vst v5;
	v7 =	vmul.f32 $3.200000000e+01, v7  }
0x16f: {  	v54 =	vld [tilespmem:s22+$0x640];
	[tilespmem:s22+$0x1A20] =	vst v6;
	v4 =	vmul.f32 $3.200000000e+01, v4  }
0x170: {  	v55 =	vld [tilespmem:s22+$0xA40];
	s21 =	sadd.s32 $0x1, s21;
	[tilespmem:s22+$0x1A30] =	vst v7;
	v8 =	vmul.f32 $3.200000000e+01, v8  }
0x171: {  	v56 =	vld [tilespmem:s22+$0xE40];
	s21 =	sand.u32 $0x7, s21;
	[tilespmem:s22+$0x1A50] =	vst v4;
	v10 =	vmul.f32 $3.200000000e+01, v10  }
0x172: {  	v57 =	vld [tilespmem:s22+$0x1240];
	s21 =	sshll.u32 s21, $0x7;
	v9 =	vmul.f32 $3.200000000e+01, v53;
	[tilespmem:s22+$0x1A60] =	vst v8  }
0x173: {  	v58 =	vld [tilespmem:s22+$0x1640];
	s21 =	sadd.s32 s21, s23;
	[tilespmem:s22+$0x1A70] =	vst v10  }
0x174: {  	v59 =	vld [tilespmem:s22+$0x1A40];
	s23 =	sor.u32 $0x1C00, s21;
	v5 =	vmul.f32 $3.200000000e+01, v54;
	[tilespmem:s22+$0x240] =	vst v9  }
0x175: {  	v6 =	vmul.f32 $3.200000000e+01, v55;
	v9 =	vld [tilespmem:s23+$0x200]  }
0x176: {  	v60 =	vmul.f32 $3.200000000e+01, v56;
	[tilespmem:s22+$0x640] =	vst v5  }
0x177: {  	v4 =	vmul.f32 $3.200000000e+01, v57;
	[tilespmem:s22+$0xA40] =	vst v6  }
0x178: {  	v61 =	vmul.f32 $3.200000000e+01, v58;
	[tilespmem:s22+$0xE40] =	vst v60  }
0x179: {  	v62 =	vmul.f32 $3.200000000e+01, v59;
	[tilespmem:s22+$0x1240] =	vst v4  }
0x17a: {  	[tilespmem:s22+$0x1640] =	vst v61;
	v63 =	vmul.f32 $3.200000000e+01, v9  }
0x17b: {  	[tilespmem:s22+$0x1A40] =	vst v62  }
0x17c: {  	[tilespmem:s23+$0x200] =	vst v63;
	s23 =	sor.u32 $0x1C10, s21  }
0x17d: {  	v4 =	vld [tilespmem:s23+$0x200];
	_ =	sdelay $0x4  }
0x17e: {  	v4 =	vmul.f32 $3.200000000e+01, v4;
	_ =	sdelay $0x1  }
0x17f: {  	s25 =	sor.u32 $0x1C20, s21;
	[tilespmem:s23+$0x200] =	vst v4  }
0x180: {  	v4 =	vld [tilespmem:s25+$0x200];
	_ =	sdelay $0x4  }
0x181: {  	v4 =	vmul.f32 $3.200000000e+01, v4;
	_ =	sdelay $0x1  }
0x182: {  	s28 =	sor.u32 $0x1C30, s21;
	[tilespmem:s25+$0x200] =	vst v4  }
0x183: {  	v4 =	vld [tilespmem:s28+$0x200];
	_ =	sdelay $0x4  }
0x184: {  	v4 =	vmul.f32 $3.200000000e+01, v4;
	_ =	sdelay $0x1  }
0x185: {  	s29 =	sor.u32 $0x1C40, s21;
	[tilespmem:s28+$0x200] =	vst v4  }
0x186: {  	v4 =	vld [tilespmem:s29+$0x200];
	_ =	sdelay $0x4  }
0x187: {  	v4 =	vmul.f32 $3.200000000e+01, v4;
	_ =	sdelay $0x1  }
0x188: {  	s30 =	sor.u32 $0x1C50, s21;
	[tilespmem:s29+$0x200] =	vst v4  }
0x189: {  	v4 =	vld [tilespmem:s30+$0x200];
	_ =	sdelay $0x4  }
0x18a: {  	v4 =	vmul.f32 $3.200000000e+01, v4;
	_ =	sdelay $0x1  }
0x18b: {  	s23 =	sor.u32 $0x1C60, s21;
	[tilespmem:s30+$0x200] =	vst v4  }
0x18c: {  	v4 =	vld [tilespmem:s23+$0x200];
	_ =	sdelay $0x4  }
0x18d: {  	v4 =	vmul.f32 $3.200000000e+01, v4  }
0x18e: {  	[tilespmem:s26+$0x200] =	vst v3;
	s24 =	sor.u32 $0x1C70, s24  }
0x18f: {  	v3 =	vld [tilespmem:s24+$0x200];
	s21 =	sor.u32 $0x1C70, s21;
	[tilespmem:s23+$0x200] =	vst v4  }
0x190: {  	v4 =	vld [tilespmem:s21+$0x200];
	_ =	sdelay $0x1  }
0x191: {  	s25 =	sshll.u32 s19, $0xB;
	s19 =	sadd.s32 $0x1, s19  }
0x192: {  	p0 =	sne.s32 s19, $0x20  }
.Ltmp1:
0x193: {  	v3 =	vmul.f32 $3.200000000e+01, v3;
	(pc) =	sbr.rel @p0 .LBB2_2-.Ltmp1, $4  }
0x194: {  	v4 =	vmul.f32 $3.200000000e+01, v4  }
0x195: {  	s26 =	sshll.u32 s20, $0xE;
	s18 =	sadd.s32 $0x4000, s18;
	[tilespmem:s24+$0x200] =	vst v3  }
0x196: {  	s28 =	sadd.s32 $0x8, s20;
	s29 =	sadd.s32 s25, s8;
	s30 =	sor.u32 $0x200, s26;
	[tilespmem:s21+$0x200] =	vst v4  }
0x197: {  	[hbm4b:s29+s3] =	stream.linear.scatter [tilespmem:s30], [sflag:s28], $0x4000, $0x38;
	[tilespmem:$0x1C200] =	vst v63  }
0x198: {  	_ =	swait.ge [sflag:s0], $0x4000  }
0x199: {  	[sflag:s0] =	ssyncset.done $0x0  }
0x19a: {  	[sflag:s0] =	ssyncadd.s32 $0xFFFFC000  }
0x19b: {  	_ =	swait.ge [sflag:s2], $0x4000  }
0x19c: {  	[sflag:s2] =	ssyncset.done $0x0  }
0x19d: {  	[sflag:s2] =	ssyncadd.s32 $0xFFFFC000  }
0x19e: {  	_ =	swait.ge [sflag:s10], $0x4000  }
0x19f: {  	[sflag:s10] =	ssyncset.done $0x0  }
0x1a0: {  	[sflag:s10] =	ssyncadd.s32 $0xFFFFC000  }
0x1a1: {  	_ =	swait.ge [sflag:s13], $0x4000  }
0x1a2: {  	[sflag:s13] =	ssyncset.done $0x0  }
0x1a3: {  	[sflag:s13] =	ssyncadd.s32 $0xFFFFC000  }
0x1a4: {  	_ =	swait.ge [sflag:s14], $0x4000  }
0x1a5: {  	[sflag:s14] =	ssyncset.done $0x0  }
0x1a6: {  	s17 =	sadd.s32 $0x1, s17;
	[sflag:s14] =	ssyncadd.s32 $0xFFFFC000  }
0x1a7: {  	p0 =	sne.s32 s17, s9;
	_ =	swait.ge [sflag:s15], $0x4000  }
.Ltmp2:
0x1a8: {  	[sflag:s15] =	ssyncset.done $0x0;
	(pc) =	sbr.rel @p0 .LBB2_1-.Ltmp2, $4  }
0x1a9: {  	[sflag:s15] =	ssyncadd.s32 $0xFFFFC000  }
0x1aa: {  	_ =	swait.ge [sflag:s16], $0x4000  }
0x1ab: {  	[sflag:s16] =	ssyncset.done $0x0  }
0x1ac: {  	[sflag:s16] =	ssyncadd.s32 $0xFFFFC000  }
0x1ad: {  	_ =	sfence.sel $0x180000  }
0x1ae: {  	[bflag:$0x0] =	sbarrier.arrive $0xFFFF  }
0x1af: {  	_ =	strace $0x90000047  }
0x1b0: {  	s0 =	stileid.u32;
	[bflag:$0x2] =	sbarrier.arrive $0xFFFF  }
0x1b1: {  	p0 =	sne.s32 s0, $0x0;
	s0 =	rddreg [dreg:$0x3]  }
0x1b2: {  	s0 =	sadd.s32 @!p0 $0x100000, s0  }
0x1b3: {  	[sflag:s0] =	ssyncadd.tile.s32 @!p0 $0x1;
	_ =	shalt  }
.Lfunc_end2:
_tile_overlayer_lowered:
.L_overlay_start_2:
0x1b4: {  	(tag) =	ssettag $0x2  }
0x1b5: {  	s0 =	rddreg [dreg:$0x0];
	s2 =	stileid.u32  }
0x1b6: {  	s1 =	rddreg [dreg:$0x1];
	p0 =	sne.s32 s2, $0x0  }
0x1b7: {  	s3 =	rddreg [dreg:$0x2];
	[bflag:$0x3] =	sbarrier.arrive $0xFFFF;
	s2 =	simm.s32 @!p0 $0x1C0F  }
0x1b8: {  	[timem:s3], [sflag:s2] =	dma.local @!p0 [hbm:s0], s1  }
0x1b9: {  	s0 =	simm.s32 @!p0 $0xF  }
0x1ba: {  	_ =	swait.ge @!p0 [sflag:s0], s1  }
0x1bb: {  	s1 =	ssub.s32 @!p0 $0x0, s1;
	[sflag:s0] =	ssyncset.done @!p0 $0x0  }
0x1bc: {  	[sflag:s0] =	ssyncadd.s32 @!p0 s1  }
0x1bd: {  	[bflag:$0x3] =	sbarrier.arrive $0xFFFF  }
0x1be: {  	_ =	shalt  }

</sc_bundles>
